<compile_context>
chip_gen: v7x
topology: tpu7x:2x2x1
jax: 0.10.2.dev20260603
libtpu: 0.0.44.dev20260713+nightly
codegen_flags: <defaults>
</compile_context>

<pallas_src>
import functools

import jax
import jax.numpy as jnp
from jax import lax
from jax.experimental import pallas as pl
from jax.experimental.pallas import tpu as pltpu
from jax.experimental.pallas import tpu_sc as plsc

NC, NS, L = 2, 16, 16
NW = NC * NS
D = 64
C = 128
NBUF = 2
K = 2
TB = 2


def _tile_body(idx_hbm, table_hbm, out_hbm, idx_v, rows_v, tp_v, flag_v, *sems):
    gsem = sems[:NBUF]
    tsem = sems[NBUF:]
    wid = lax.axis_index("s") * NC + lax.axis_index("c")
    n_idx = idx_hbm.shape[0]
    n_rows = n_idx // NW
    n_chunks = n_rows // C
    base = wid * n_rows

    pltpu.sync_copy(idx_hbm.at[pl.ds(base, n_rows)], idx_v.at[pl.ds(0, n_rows)])

    def gather_copy(j, b):
        return pltpu.make_async_copy(
            table_hbm.at[idx_v.at[pl.ds(j * C, C)]], rows_v.at[b], gsem[b]
        )

    def out_copy(j, tb):
        q = wid * n_chunks + j
        nbg = out_hbm.shape[1] // C
        s = q // nbg
        bg = q % nbg
        return pltpu.make_async_copy(
            tp_v.at[tb, :, pl.ds(0, C)],
            out_hbm.at[pl.ds(s * D, D), pl.ds(bg * C, C)],
            tsem[tb],
        )

    def fixup(j, b):
        acc = jnp.zeros((L,), jnp.bool_)
        for g in range(C // L):
            ig = idx_v[pl.ds(j * C + g * L, L)]
            acc = acc | (ig == 0)
        flag_v[...] = jnp.zeros((L,), jnp.int32)
        plsc.store_scatter(
            flag_v, [jnp.zeros((L,), jnp.int32)], jnp.ones((L,), jnp.int32), mask=acc
        )
        haspad = flag_v[...][0]

        @pl.when(haspad > 0)
        def _fix():
            @pl.loop(0, C)
            def _row(r):
                v = idx_v[pl.ds(j * C + r, L)][0]

                @pl.when(v == 0)
                def _zero_row():
                    z = jnp.zeros((L,), jnp.float32)
                    rr = jnp.full((L,), r, jnp.int32)
                    col = lax.iota(jnp.int32, L)
                    for cg in range(D // L):
                        plsc.store_scatter(rows_v.at[b], [rr, col + cg * L], z)

    row_ids = [lax.iota(jnp.int32, L) + g * L for g in range(C // L)]

    def transpose(b, tb):
        @plsc.parallel_loop(0, C, unroll=8)
        def _r(r):
            colf = jnp.full((L,), r, jnp.int32)
            for g in range(D // L):
                vr = rows_v[b, r, pl.ds(g * L, L)]
                plsc.store_scatter(tp_v.at[tb], [row_ids[g], colf], vr)

    def step(j, b, tb):
        gather_copy(j, b).wait()
        fixup(j, b)

        @pl.when(j >= TB)
        def _drain():
            out_copy(0, tb).wait()

        transpose(b, tb)
        out_copy(j, tb).start()

        @pl.when(j + K < n_chunks)
        def _fire():
            gather_copy(j + K, (b + K) % NBUF).start()

    for jf in range(K):
        gather_copy(jf, jf % NBUF).start()

    @pl.loop(0, n_chunks // NBUF)
    def _grp(o):
        for u in range(NBUF):
            step(o * NBUF + u, u, u % TB)

    for u in range(TB):
        out_copy(0, u).wait()


def kernel(url_ids, table):
    batch, seq = url_ids.shape
    idx = jnp.swapaxes(url_ids, 0, 1).reshape(-1).astype(jnp.int32)
    n = idx.shape[0]
    n_rows = n // NW

    mesh = plsc.VectorSubcoreMesh(
        core_axis_name="c", subcore_axis_name="s", num_cores=NC, num_subcores=NS
    )
    f = pl.kernel(
        _tile_body,
        out_type=jax.ShapeDtypeStruct((seq * D, batch), jnp.float32),
        mesh=mesh,
        compiler_params=pltpu.CompilerParams(
            needs_layout_passes=False, use_tc_tiling_on_sc=False
        ),
        scratch_types=[
            pltpu.VMEM((n_rows + L,), jnp.int32),
            pltpu.VMEM((NBUF, C, D), jnp.float32),
            pltpu.VMEM((TB, D, C + 1), jnp.float32),
            pltpu.VMEM((L,), jnp.int32),
        ]
        + [pltpu.SemaphoreType.DMA] * (NBUF + TB),
    )
    out = f(idx, table)
    return out.reshape(seq, D, batch).transpose(2, 0, 1)

# --- scband reference (transcript-rebuilt; emitter-appended) ---
"""Pipeline reference for scband-urlembedding-layer-20194936226141 (READ-ONLY COPY).

The authoritative reference and input builder live on the scoring server;
editing this copy changes nothing except your own understanding.
"""

import jax, jax.numpy as jnp
import numpy as np

URL_EMBEDDING_DIM = 64
URL_VOCAB_SIZE = 100000

def setup_inputs(seed: int = 0) -> dict:
    key = jax.random.key(seed)
    k_idx, k_tab = jax.random.split(key)
    url_ids = jax.random.randint(k_idx, (4096, 50), 0, URL_VOCAB_SIZE + 1, dtype=jnp.int64 if jax.config.jax_enable_x64 else jnp.int32)
    table = jax.random.normal(k_tab, (URL_VOCAB_SIZE + 1, URL_EMBEDDING_DIM), dtype=jnp.float32)
    return {"url_ids": url_ids, "table": table}

def reference(url_ids, table):
    # nn.Embedding with padding_idx=0: row 0 is forced to zeros
    tab = table.at[0].set(0.0)
    return jnp.take(tab, url_ids, axis=0)

if __name__ == "__main__":
    import jax
    _d = setup_inputs()
    print(jax.jit(kernel)(*tuple(_d.values())))

</pallas_src>

<mosaic_0001>
#map = affine_map<(d0, d1) -> (0)>
#map1 = affine_map<(d0, d1) -> (0, 0)>
module attributes {stable_mosaic.version = 14 : i64} {
  func.func @_tile_body(%arg0: i32, %arg1: i32, %arg2: memref<204800xi32, #tpu.memory_space<hbm>>, %arg3: memref<100001x64xf32, #tpu.memory_space<hbm>>, %arg4: memref<3200x4096xf32, #tpu.memory_space<hbm>>, %arg5: memref<6416xi32, #tpu.memory_space<vmem>>, %arg6: memref<2x128x64xf32, #tpu.memory_space<vmem>>, %arg7: memref<2x64x129xf32, #tpu.memory_space<vmem>>, %arg8: memref<16xi32, #tpu.memory_space<vmem>>, %arg9: memref<!tpu.dma_semaphore, #tpu.memory_space<semaphore_mem>>, %arg10: memref<!tpu.dma_semaphore, #tpu.memory_space<semaphore_mem>>, %arg11: memref<!tpu.dma_semaphore, #tpu.memory_space<semaphore_mem>>, %arg12: memref<!tpu.dma_semaphore, #tpu.memory_space<semaphore_mem>>) attributes {dimension_semantics = [#tpu.dimension_semantics<core_parallel>, #tpu.dimension_semantics<subcore_parallel>], iteration_bounds = array<i64: 2, 16>, scalar_prefetch = 0 : i64, scratch_operands = 8 : i64, tpu.core_type = #tpu.core_type<sc_vector_subcore>, window_params = [{transform_indices = #map}, {transform_indices = #map1}, {transform_indices = #map1}]} {
    %mul3A = arith.constant 2 : i32
    %mul3A_0 = arith.muli %arg1, %mul3A : i32
    %add3A = arith.addi %mul3A_0, %arg0 : i32
    %mul3A_1 = arith.constant 6400 : i32
    %mul3A_2 = arith.muli %add3A, %mul3A_1 : i32
    "tpu.region"() ({
      %run_scoped3A = tpu.sem_alloc : memref<!tpu.dma_semaphore, #tpu.memory_space<semaphore_mem>>
      %dma_start3A_164 = arith.constant 0 : i32
      %dma_start3A_165 = tpu.memref_slice %arg5[%dma_start3A_164] : memref<6416xi32, #tpu.memory_space<vmem>> -> memref<6400xi32, #tpu.memory_space<vmem>>
      %dma_start3A_166 = tpu.memref_slice %arg2[%mul3A_2] : memref<204800xi32, #tpu.memory_space<hbm>> -> memref<6400xi32, #tpu.memory_space<hbm>>
      %dma_start3A_167 = arith.constant 0 : i32
      %dma_start3A_168 = tpu.memref_slice %arg5[%dma_start3A_167] : memref<6416xi32, #tpu.memory_space<vmem>> -> memref<6400xi32, #tpu.memory_space<vmem>>
      %dma_start3A_169 = tpu.memref_slice %arg2[%mul3A_2] : memref<204800xi32, #tpu.memory_space<hbm>> -> memref<6400xi32, #tpu.memory_space<hbm>>
      tpu.enqueue_dma source(%dma_start3A_169 : memref<6400xi32, #tpu.memory_space<hbm>>) target(%dma_start3A_168 : memref<6400xi32, #tpu.memory_space<vmem>>) target_semaphore(%run_scoped3A : memref<!tpu.dma_semaphore, #tpu.memory_space<semaphore_mem>>)
      %dma_wait3A_170 = arith.constant 0 : i32
      %dma_wait3A_171 = tpu.memref_slice %arg5[%dma_wait3A_170] : memref<6416xi32, #tpu.memory_space<vmem>> -> memref<6400xi32, #tpu.memory_space<vmem>>
      %dma_wait3A_172 = tpu.memref_slice %arg2[%mul3A_2] : memref<204800xi32, #tpu.memory_space<hbm>> -> memref<6400xi32, #tpu.memory_space<hbm>>
      %dma_wait3A_173 = arith.constant 0 : i32
      %dma_wait3A_174 = tpu.memref_slice %arg5[%dma_wait3A_173] : memref<6416xi32, #tpu.memory_space<vmem>> -> memref<6400xi32, #tpu.memory_space<vmem>>
      %dma_wait3A_175 = tpu.memref_slice %arg2[%mul3A_2] : memref<204800xi32, #tpu.memory_space<hbm>> -> memref<6400xi32, #tpu.memory_space<hbm>>
      tpu.wait_dma2 semaphore(%run_scoped3A : memref<!tpu.dma_semaphore, #tpu.memory_space<semaphore_mem>>) src(%dma_wait3A_175 : memref<6400xi32, #tpu.memory_space<hbm>>) dst(%dma_wait3A_174 : memref<6400xi32, #tpu.memory_space<vmem>>)
      tpu.yield
    }) : () -> ()
    %iota3A = tpu.iota {dimensions = array<i32: 0>} : vector<16xi32>
    %add3A_3 = arith.constant 0 : i32
    %add3A_4 = vector.broadcast %add3A_3 : i32 to vector<16xi32>
    %add3A_5 = arith.addi %iota3A, %add3A_4 : vector<16xi32>
    %iota3A_6 = tpu.iota {dimensions = array<i32: 0>} : vector<16xi32>
    %add3A_7 = arith.constant 16 : i32
    %add3A_8 = vector.broadcast %add3A_7 : i32 to vector<16xi32>
    %add3A_9 = arith.addi %iota3A_6, %add3A_8 : vector<16xi32>
    %iota3A_10 = tpu.iota {dimensions = array<i32: 0>} : vector<16xi32>
    %add3A_11 = arith.constant 32 : i32
    %add3A_12 = vector.broadcast %add3A_11 : i32 to vector<16xi32>
    %add3A_13 = arith.addi %iota3A_10, %add3A_12 : vector<16xi32>
    %iota3A_14 = tpu.iota {dimensions = array<i32: 0>} : vector<16xi32>
    %add3A_15 = arith.constant 48 : i32
    %add3A_16 = vector.broadcast %add3A_15 : i32 to vector<16xi32>
    %add3A_17 = arith.addi %iota3A_14, %add3A_16 : vector<16xi32>
    %iota3A_18 = tpu.iota {dimensions = array<i32: 0>} : vector<16xi32>
    %add3A_19 = arith.constant 64 : i32
    %add3A_20 = vector.broadcast %add3A_19 : i32 to vector<16xi32>
    %add3A_21 = arith.addi %iota3A_18, %add3A_20 : vector<16xi32>
    %iota3A_22 = tpu.iota {dimensions = array<i32: 0>} : vector<16xi32>
    %add3A_23 = arith.constant 80 : i32
    %add3A_24 = vector.broadcast %add3A_23 : i32 to vector<16xi32>
    %add3A_25 = arith.addi %iota3A_22, %add3A_24 : vector<16xi32>
    %iota3A_26 = tpu.iota {dimensions = array<i32: 0>} : vector<16xi32>
    %add3A_27 = arith.constant 96 : i32
    %add3A_28 = vector.broadcast %add3A_27 : i32 to vector<16xi32>
    %add3A_29 = arith.addi %iota3A_26, %add3A_28 : vector<16xi32>
    %iota3A_30 = tpu.iota {dimensions = array<i32: 0>} : vector<16xi32>
    %add3A_31 = arith.constant 112 : i32
    %add3A_32 = vector.broadcast %add3A_31 : i32 to vector<16xi32>
    %add3A_33 = arith.addi %iota3A_30, %add3A_32 : vector<16xi32>
    %dma_start3A = arith.constant 0 : i32
    %dma_start3A_34 = arith.constant 0 : i32
    %dma_start3A_35 = arith.constant 0 : i32
    %dma_start3A_36 = tpu.memref_slice %arg6[%dma_start3A, %dma_start3A_34, %dma_start3A_35] : memref<2x128x64xf32, #tpu.memory_space<vmem>> -> memref<1x128x64xf32, #tpu.memory_space<vmem>>
    %dma_start3A_37 = tpu.memref_squeeze %dma_start3A_36 : memref<1x128x64xf32, #tpu.memory_space<vmem>> -> memref<128x64xf32, #tpu.memory_space<vmem>>
    %dma_start3A_38 = arith.constant 0 : i32
    %dma_start3A_39 = tpu.memref_slice %arg5[%dma_start3A_38] : memref<6416xi32, #tpu.memory_space<vmem>> -> memref<128xi32, #tpu.memory_space<vmem>>
    %dma_start3A_40 = arith.constant 0 : i32
    %dma_start3A_41 = arith.constant 0 : i32
    %dma_start3A_42 = tpu.memref_slice %arg3[%dma_start3A_40, %dma_start3A_41] : memref<100001x64xf32, #tpu.memory_space<hbm>> -> memref<100001x64xf32, #tpu.memory_space<hbm>>
    tpu.enqueue_indirect_dma source(%dma_start3A_42 : memref<100001x64xf32, #tpu.memory_space<hbm>>) target(%dma_start3A_37 : memref<128x64xf32, #tpu.memory_space<vmem>>) offsets(%dma_start3A_39 : memref<128xi32, #tpu.memory_space<vmem>>) semaphore(%arg9 : memref<!tpu.dma_semaphore, #tpu.memory_space<semaphore_mem>>)
    %dma_start3A_43 = arith.constant 1 : i32
    %dma_start3A_44 = arith.constant 0 : i32
    %dma_start3A_45 = arith.constant 0 : i32
    %dma_start3A_46 = tpu.memref_slice %arg6[%dma_start3A_43, %dma_start3A_44, %dma_start3A_45] : memref<2x128x64xf32, #tpu.memory_space<vmem>> -> memref<1x128x64xf32, #tpu.memory_space<vmem>>
    %dma_start3A_47 = tpu.memref_squeeze %dma_start3A_46 : memref<1x128x64xf32, #tpu.memory_space<vmem>> -> memref<128x64xf32, #tpu.memory_space<vmem>>
    %dma_start3A_48 = arith.constant 128 : i32
    %dma_start3A_49 = tpu.memref_slice %arg5[%dma_start3A_48] : memref<6416xi32, #tpu.memory_space<vmem>> -> memref<128xi32, #tpu.memory_space<vmem>>
    %dma_start3A_50 = arith.constant 0 : i32
    %dma_start3A_51 = arith.constant 0 : i32
    %dma_start3A_52 = tpu.memref_slice %arg3[%dma_start3A_50, %dma_start3A_51] : memref<100001x64xf32, #tpu.memory_space<hbm>> -> memref<100001x64xf32, #tpu.memory_space<hbm>>
    tpu.enqueue_indirect_dma source(%dma_start3A_52 : memref<100001x64xf32, #tpu.memory_space<hbm>>) target(%dma_start3A_47 : memref<128x64xf32, #tpu.memory_space<vmem>>) offsets(%dma_start3A_49 : memref<128xi32, #tpu.memory_space<vmem>>) semaphore(%arg10 : memref<!tpu.dma_semaphore, #tpu.memory_space<semaphore_mem>>)
    %scan3A = arith.constant 0 : i32
    %scan3A_53 = arith.constant 25 : i32
    %scan3A_54 = arith.addi %scan3A, %scan3A_53 : i32
    %scan3A_55 = arith.constant 1 : i32
    scf.for %scan3A_164 = %scan3A to %scan3A_54 step %scan3A_55  : i32 {
      %mul3A_165 = arith.constant 1 : i32
      %mul3A_166 = arith.muli %scan3A_164, %mul3A_165 : i32
      %add3A_167 = arith.constant 0 : i32
      %add3A_168 = arith.addi %add3A_167, %mul3A_166 : i32
      %mul3A_169 = arith.constant 2 : i32
      %mul3A_170 = arith.muli %add3A_168, %mul3A_169 : i32
      %add3A_171 = arith.constant 0 : i32
      %add3A_172 = arith.addi %mul3A_170, %add3A_171 : i32
      %mul3A_173 = arith.constant 128 : i32
      %mul3A_174 = arith.muli %add3A_172, %mul3A_173 : i32
      %dma_wait3A_175 = arith.constant 0 : i32
      %dma_wait3A_176 = arith.constant 0 : i32
      %dma_wait3A_177 = arith.constant 0 : i32
      %dma_wait3A_178 = tpu.memref_slice %arg6[%dma_wait3A_175, %dma_wait3A_176, %dma_wait3A_177] : memref<2x128x64xf32, #tpu.memory_space<vmem>> -> memref<1x128x64xf32, #tpu.memory_space<vmem>>
      %dma_wait3A_179 = tpu.memref_squeeze %dma_wait3A_178 : memref<1x128x64xf32, #tpu.memory_space<vmem>> -> memref<128x64xf32, #tpu.memory_space<vmem>>
      %dma_wait3A_180 = tpu.memref_slice %arg5[%mul3A_174] : memref<6416xi32, #tpu.memory_space<vmem>> -> memref<128xi32, #tpu.memory_space<vmem>>
      %dma_wait3A_181 = arith.constant 0 : i32
      %dma_wait3A_182 = arith.constant 0 : i32
      %dma_wait3A_183 = tpu.memref_slice %arg3[%dma_wait3A_181, %dma_wait3A_182] : memref<100001x64xf32, #tpu.memory_space<hbm>> -> memref<100001x64xf32, #tpu.memory_space<hbm>>
      tpu.wait_indirect_dma semaphore(%arg9 : memref<!tpu.dma_semaphore, #tpu.memory_space<semaphore_mem>>) src(%dma_wait3A_183 : memref<100001x64xf32, #tpu.memory_space<hbm>>) dst(%dma_wait3A_179 : memref<128x64xf32, #tpu.memory_space<vmem>>)
      %broadcast_in_dim3A = arith.constant false
      %broadcast_in_dim3A_184 = vector.broadcast %broadcast_in_dim3A : i1 to vector<16xi1>
      %mul3A_185 = arith.constant 128 : i32
      %mul3A_186 = arith.muli %add3A_172, %mul3A_185 : i32
      %add3A_187 = arith.constant 0 : i32
      %add3A_188 = arith.addi %mul3A_186, %add3A_187 : i32
      %get3A = arith.index_cast %add3A_188 : i32 to index
      %get3A_189 = tpu.vector_load %arg5[%get3A] {strides = array<i32>} : memref<6416xi32, #tpu.memory_space<vmem>>, vector<16xi32>,
      %eq3A_190 = arith.constant 0 : i32
      %eq3A_191 = vector.broadcast %eq3A_190 : i32 to vector<16xi32>
      %eq3A_192 = arith.cmpi eq, %get3A_189, %eq3A_191 : vector<16xi32>
      %or3A = arith.ori %broadcast_in_dim3A_184, %eq3A_192 : vector<16xi1>
      %mul3A_193 = arith.constant 128 : i32
      %mul3A_194 = arith.muli %add3A_172, %mul3A_193 : i32
      %add3A_195 = arith.constant 16 : i32
      %add3A_196 = arith.addi %mul3A_194, %add3A_195 : i32
      %get3A_197 = arith.index_cast %add3A_196 : i32 to index
      %get3A_198 = tpu.vector_load %arg5[%get3A_197] {strides = array<i32>} : memref<6416xi32, #tpu.memory_space<vmem>>, vector<16xi32>,
      %eq3A_199 = arith.constant 0 : i32
      %eq3A_200 = vector.broadcast %eq3A_199 : i32 to vector<16xi32>
      %eq3A_201 = arith.cmpi eq, %get3A_198, %eq3A_200 : vector<16xi32>
      %or3A_202 = arith.ori %or3A, %eq3A_201 : vector<16xi1>
      %mul3A_203 = arith.constant 128 : i32
      %mul3A_204 = arith.muli %add3A_172, %mul3A_203 : i32
      %add3A_205 = arith.constant 32 : i32
      %add3A_206 = arith.addi %mul3A_204, %add3A_205 : i32
      %get3A_207 = arith.index_cast %add3A_206 : i32 to index
      %get3A_208 = tpu.vector_load %arg5[%get3A_207] {strides = array<i32>} : memref<6416xi32, #tpu.memory_space<vmem>>, vector<16xi32>,
      %eq3A_209 = arith.constant 0 : i32
      %eq3A_210 = vector.broadcast %eq3A_209 : i32 to vector<16xi32>
      %eq3A_211 = arith.cmpi eq, %get3A_208, %eq3A_210 : vector<16xi32>
      %or3A_212 = arith.ori %or3A_202, %eq3A_211 : vector<16xi1>
      %mul3A_213 = arith.constant 128 : i32
      %mul3A_214 = arith.muli %add3A_172, %mul3A_213 : i32
      %add3A_215 = arith.constant 48 : i32
      %add3A_216 = arith.addi %mul3A_214, %add3A_215 : i32
      %get3A_217 = arith.index_cast %add3A_216 : i32 to index
      %get3A_218 = tpu.vector_load %arg5[%get3A_217] {strides = array<i32>} : memref<6416xi32, #tpu.memory_space<vmem>>, vector<16xi32>,
      %eq3A_219 = arith.constant 0 : i32
      %eq3A_220 = vector.broadcast %eq3A_219 : i32 to vector<16xi32>
      %eq3A_221 = arith.cmpi eq, %get3A_218, %eq3A_220 : vector<16xi32>
      %or3A_222 = arith.ori %or3A_212, %eq3A_221 : vector<16xi1>
      %mul3A_223 = arith.constant 128 : i32
      %mul3A_224 = arith.muli %add3A_172, %mul3A_223 : i32
      %add3A_225 = arith.constant 64 : i32
      %add3A_226 = arith.addi %mul3A_224, %add3A_225 : i32
      %get3A_227 = arith.index_cast %add3A_226 : i32 to index
      %get3A_228 = tpu.vector_load %arg5[%get3A_227] {strides = array<i32>} : memref<6416xi32, #tpu.memory_space<vmem>>, vector<16xi32>,
      %eq3A_229 = arith.constant 0 : i32
      %eq3A_230 = vector.broadcast %eq3A_229 : i32 to vector<16xi32>
      %eq3A_231 = arith.cmpi eq, %get3A_228, %eq3A_230 : vector<16xi32>
      %or3A_232 = arith.ori %or3A_222, %eq3A_231 : vector<16xi1>
      %mul3A_233 = arith.constant 128 : i32
      %mul3A_234 = arith.muli %add3A_172, %mul3A_233 : i32
      %add3A_235 = arith.constant 80 : i32
      %add3A_236 = arith.addi %mul3A_234, %add3A_235 : i32
      %get3A_237 = arith.index_cast %add3A_236 : i32 to index
      %get3A_238 = tpu.vector_load %arg5[%get3A_237] {strides = array<i32>} : memref<6416xi32, #tpu.memory_space<vmem>>, vector<16xi32>,
      %eq3A_239 = arith.constant 0 : i32
      %eq3A_240 = vector.broadcast %eq3A_239 : i32 to vector<16xi32>
      %eq3A_241 = arith.cmpi eq, %get3A_238, %eq3A_240 : vector<16xi32>
      %or3A_242 = arith.ori %or3A_232, %eq3A_241 : vector<16xi1>
      %mul3A_243 = arith.constant 128 : i32
      %mul3A_244 = arith.muli %add3A_172, %mul3A_243 : i32
      %add3A_245 = arith.constant 96 : i32
      %add3A_246 = arith.addi %mul3A_244, %add3A_245 : i32
      %get3A_247 = arith.index_cast %add3A_246 : i32 to index
      %get3A_248 = tpu.vector_load %arg5[%get3A_247] {strides = array<i32>} : memref<6416xi32, #tpu.memory_space<vmem>>, vector<16xi32>,
      %eq3A_249 = arith.constant 0 : i32
      %eq3A_250 = vector.broadcast %eq3A_249 : i32 to vector<16xi32>
      %eq3A_251 = arith.cmpi eq, %get3A_248, %eq3A_250 : vector<16xi32>
      %or3A_252 = arith.ori %or3A_242, %eq3A_251 : vector<16xi1>
      %mul3A_253 = arith.constant 128 : i32
      %mul3A_254 = arith.muli %add3A_172, %mul3A_253 : i32
      %add3A_255 = arith.constant 112 : i32
      %add3A_256 = arith.addi %mul3A_254, %add3A_255 : i32
      %get3A_257 = arith.index_cast %add3A_256 : i32 to index
      %get3A_258 = tpu.vector_load %arg5[%get3A_257] {strides = array<i32>} : memref<6416xi32, #tpu.memory_space<vmem>>, vector<16xi32>,
      %eq3A_259 = arith.constant 0 : i32
      %eq3A_260 = vector.broadcast %eq3A_259 : i32 to vector<16xi32>
      %eq3A_261 = arith.cmpi eq, %get3A_258, %eq3A_260 : vector<16xi32>
      %or3A_262 = arith.ori %or3A_252, %eq3A_261 : vector<16xi1>
      %broadcast_in_dim3A_263 = arith.constant 0 : i32
      %broadcast_in_dim3A_264 = vector.broadcast %broadcast_in_dim3A_263 : i32 to vector<16xi32>
      %swap3A = arith.constant 0 : index
      %swap3A_265 = tpu.vector_load %arg8[%swap3A] {strides = array<i32>} : memref<16xi32, #tpu.memory_space<vmem>>, vector<16xi32>,
      tpu.vector_store %arg8[%swap3A], %broadcast_in_dim3A_264 {strides = array<i32>} : memref<16xi32, #tpu.memory_space<vmem>>, vector<16xi32>,
      %broadcast_in_dim3A_266 = arith.constant 0 : i32
      %broadcast_in_dim3A_267 = vector.broadcast %broadcast_in_dim3A_266 : i32 to vector<16xi32>
      %broadcast_in_dim3A_268 = arith.constant 1 : i32
      %broadcast_in_dim3A_269 = vector.broadcast %broadcast_in_dim3A_268 : i32 to vector<16xi32>
      tpu.vector_store_idx %arg8[%broadcast_in_dim3A_267], %broadcast_in_dim3A_269 masked %or3A_262 : memref<16xi32, #tpu.memory_space<vmem>>[vector<16xi32>], vector<16xi32>, vector<16xi1>
      %get3A_270 = arith.constant 0 : index
      %get3A_271 = tpu.vector_load %arg8[%get3A_270] {strides = array<i32>} : memref<16xi32, #tpu.memory_space<vmem>>, vector<16xi32>,
      %slice3A = vector.extract_strided_slice %get3A_271 {offsets = [0], sizes = [1], strides = [1]} : vector<16xi32> to vector<1xi32>
      %squeeze3A = vector.extract %slice3A[0] : i32 from vector<1xi32>
      %gt3A = arith.constant 0 : i32
      %gt3A_272 = arith.cmpi sgt, %squeeze3A, %gt3A : i32
      %convert_element_type3A = arith.extui %gt3A_272 : i1 to i32
      %cond3A = arith.constant 0 : i32
      %cond3A_273 = arith.cmpi ne, %convert_element_type3A, %cond3A : i32
      scf.if %cond3A_273 {
        %scan3A_532 = arith.constant 0 : i32
        %scan3A_533 = arith.constant 128 : i32
        %scan3A_534 = arith.addi %scan3A_532, %scan3A_533 : i32
        %scan3A_535 = arith.constant 1 : i32
        scf.for %scan3A_537 = %scan3A_532 to %scan3A_534 step %scan3A_535  : i32 {
          %mul3A_538 = arith.constant 1 : i32
          %mul3A_539 = arith.muli %scan3A_537, %mul3A_538 : i32
          %add3A_540 = arith.constant 0 : i32
          %add3A_541 = arith.addi %add3A_540, %mul3A_539 : i32
          %mul3A_542 = arith.constant 128 : i32
          %mul3A_543 = arith.muli %add3A_172, %mul3A_542 : i32
          %add3A_544 = arith.addi %mul3A_543, %add3A_541 : i32
          %get3A_545 = arith.index_cast %add3A_544 : i32 to index
          %get3A_546 = tpu.vector_load %arg5[%get3A_545] {strides = array<i32>} : memref<6416xi32, #tpu.memory_space<vmem>>, vector<16xi32>,
          %slice3A_547 = vector.extract_strided_slice %get3A_546 {offsets = [0], sizes = [1], strides = [1]} : vector<16xi32> to vector<1xi32>
          %squeeze3A_548 = vector.extract %slice3A_547[0] : i32 from vector<1xi32>
          %eq3A_549 = arith.constant 0 : i32
          %eq3A_550 = arith.cmpi eq, %squeeze3A_548, %eq3A_549 : i32
          %convert_element_type3A_551 = arith.extui %eq3A_550 : i1 to i32
          %cond3A_552 = arith.constant 0 : i32
          %cond3A_553 = arith.cmpi ne, %convert_element_type3A_551, %cond3A_552 : i32
          scf.if %cond3A_553 {
            %broadcast_in_dim3A_554 = arith.constant 0.000000e+00 : f32
            %broadcast_in_dim3A_555 = vector.broadcast %broadcast_in_dim3A_554 : f32 to vector<16xf32>
            %broadcast_in_dim3A_556 = vector.broadcast %add3A_541 : i32 to vector<16xi32>
            %iota3A_557 = tpu.iota {dimensions = array<i32: 0>} : vector<16xi32>
            %add3A_558 = arith.constant 0 : i32
            %add3A_559 = vector.broadcast %add3A_558 : i32 to vector<16xi32>
            %add3A_560 = arith.addi %iota3A_557, %add3A_559 : vector<16xi32>
            %scatter3A = arith.constant 0 : i32
            %scatter3A_561 = arith.constant 0 : i32
            %scatter3A_562 = arith.constant 0 : i32
            %scatter3A_563 = tpu.memref_slice %arg6[%scatter3A, %scatter3A_561, %scatter3A_562] : memref<2x128x64xf32, #tpu.memory_space<vmem>> -> memref<1x128x64xf32, #tpu.memory_space<vmem>>
            %scatter3A_564 = tpu.memref_squeeze %scatter3A_563 : memref<1x128x64xf32, #tpu.memory_space<vmem>> -> memref<128x64xf32, #tpu.memory_space<vmem>>
            tpu.vector_store_idx %scatter3A_564[%broadcast_in_dim3A_556, %add3A_560], %broadcast_in_dim3A_555 : memref<128x64xf32, #tpu.memory_space<vmem>>[vector<16xi32>, vector<16xi32>], vector<16xf32>,
            %add3A_565 = arith.constant 16 : i32
            %add3A_566 = vector.broadcast %add3A_565 : i32 to vector<16xi32>
            %add3A_567 = arith.addi %iota3A_557, %add3A_566 : vector<16xi32>
            %scatter3A_568 = arith.constant 0 : i32
            %scatter3A_569 = arith.constant 0 : i32
            %scatter3A_570 = arith.constant 0 : i32
            %scatter3A_571 = tpu.memref_slice %arg6[%scatter3A_568, %scatter3A_569, %scatter3A_570] : memref<2x128x64xf32, #tpu.memory_space<vmem>> -> memref<1x128x64xf32, #tpu.memory_space<vmem>>
            %scatter3A_572 = tpu.memref_squeeze %scatter3A_571 : memref<1x128x64xf32, #tpu.memory_space<vmem>> -> memref<128x64xf32, #tpu.memory_space<vmem>>
            tpu.vector_store_idx %scatter3A_572[%broadcast_in_dim3A_556, %add3A_567], %broadcast_in_dim3A_555 : memref<128x64xf32, #tpu.memory_space<vmem>>[vector<16xi32>, vector<16xi32>], vector<16xf32>,
            %add3A_573 = arith.constant 32 : i32
            %add3A_574 = vector.broadcast %add3A_573 : i32 to vector<16xi32>
            %add3A_575 = arith.addi %iota3A_557, %add3A_574 : vector<16xi32>
            %scatter3A_576 = arith.constant 0 : i32
            %scatter3A_577 = arith.constant 0 : i32
            %scatter3A_578 = arith.constant 0 : i32
            %scatter3A_579 = tpu.memref_slice %arg6[%scatter3A_576, %scatter3A_577, %scatter3A_578] : memref<2x128x64xf32, #tpu.memory_space<vmem>> -> memref<1x128x64xf32, #tpu.memory_space<vmem>>
            %scatter3A_580 = tpu.memref_squeeze %scatter3A_579 : memref<1x128x64xf32, #tpu.memory_space<vmem>> -> memref<128x64xf32, #tpu.memory_space<vmem>>
            tpu.vector_store_idx %scatter3A_580[%broadcast_in_dim3A_556, %add3A_575], %broadcast_in_dim3A_555 : memref<128x64xf32, #tpu.memory_space<vmem>>[vector<16xi32>, vector<16xi32>], vector<16xf32>,
            %add3A_581 = arith.constant 48 : i32
            %add3A_582 = vector.broadcast %add3A_581 : i32 to vector<16xi32>
            %add3A_583 = arith.addi %iota3A_557, %add3A_582 : vector<16xi32>
            %scatter3A_584 = arith.constant 0 : i32
            %scatter3A_585 = arith.constant 0 : i32
            %scatter3A_586 = arith.constant 0 : i32
            %scatter3A_587 = tpu.memref_slice %arg6[%scatter3A_584, %scatter3A_585, %scatter3A_586] : memref<2x128x64xf32, #tpu.memory_space<vmem>> -> memref<1x128x64xf32, #tpu.memory_space<vmem>>
            %scatter3A_588 = tpu.memref_squeeze %scatter3A_587 : memref<1x128x64xf32, #tpu.memory_space<vmem>> -> memref<128x64xf32, #tpu.memory_space<vmem>>
            tpu.vector_store_idx %scatter3A_588[%broadcast_in_dim3A_556, %add3A_583], %broadcast_in_dim3A_555 : memref<128x64xf32, #tpu.memory_space<vmem>>[vector<16xi32>, vector<16xi32>], vector<16xf32>,
          } else {
          }
        }
        %scan3A_536 = arith.constant 128 : i32
      } else {
      }
      %ge3A = arith.constant 2 : i32
      %ge3A_274 = arith.cmpi sge, %add3A_172, %ge3A : i32
      %convert_element_type3A_275 = arith.extui %ge3A_274 : i1 to i32
      %cond3A_276 = arith.constant 0 : i32
      %cond3A_277 = arith.cmpi ne, %convert_element_type3A_275, %cond3A_276 : i32
      scf.if %cond3A_277 {
        %mul3A_532 = arith.constant 50 : i32
        %mul3A_533 = arith.muli %add3A, %mul3A_532 : i32
        %add3A_534 = arith.constant 0 : i32
        %add3A_535 = arith.addi %mul3A_533, %add3A_534 : i32
        %jit3A_536 = arith.constant 32 : i32
        %div3A_537 = arith.divsi %add3A_535, %jit3A_536 : i32
        %sign3A_538 = arith.constant 0 : i32
        %sign3A_539 = arith.cmpi sgt, %add3A_535, %sign3A_538 : i32
        %sign3A_540 = arith.extui %sign3A_539 : i1 to i32
        %sign3A_541 = arith.constant 0 : i32
        %sign3A_542 = arith.cmpi slt, %add3A_535, %sign3A_541 : i32
        %sign3A_543 = arith.extui %sign3A_542 : i1 to i32
        %sign3A_544 = arith.subi %sign3A_540, %sign3A_543 : i32
        %sign3A_545 = arith.constant 0 : i32
        %sign3A_546 = arith.cmpi sgt, %jit3A_536, %sign3A_545 : i32
        %sign3A_547 = arith.extui %sign3A_546 : i1 to i32
        %sign3A_548 = arith.constant 0 : i32
        %sign3A_549 = arith.cmpi slt, %jit3A_536, %sign3A_548 : i32
        %sign3A_550 = arith.extui %sign3A_549 : i1 to i32
        %sign3A_551 = arith.subi %sign3A_547, %sign3A_550 : i32
        %ne3A_552 = arith.cmpi ne, %sign3A_544, %sign3A_551 : i32
        %rem3A_553 = arith.remsi %add3A_535, %jit3A_536 : i32
        %ne3A_554 = arith.constant 0 : i32
        %ne3A_555 = arith.cmpi ne, %rem3A_553, %ne3A_554 : i32
        %and3A_556 = arith.andi %ne3A_552, %ne3A_555 : i1
        %sub3A_557 = arith.constant 1 : i32
        %sub3A_558 = arith.subi %div3A_537, %sub3A_557 : i32
        %select_n3A_559 = arith.select %and3A_556, %sub3A_558, %div3A_537 : i32
        %jit3A_560 = arith.constant 32 : i32
        %eq3A_561 = arith.constant 0 : i32
        %eq3A_562 = arith.cmpi eq, %jit3A_560, %eq3A_561 : i32
        %jit3A_563 = arith.constant 1 : i32
        %select_n3A_564 = arith.select %eq3A_562, %jit3A_563, %jit3A_560 : i32
        %rem3A_565 = arith.remsi %add3A_535, %select_n3A_564 : i32
        %ne3A_566 = arith.constant 0 : i32
        %ne3A_567 = arith.cmpi ne, %rem3A_565, %ne3A_566 : i32
        %lt3A_568 = arith.constant 0 : i32
        %lt3A_569 = arith.cmpi slt, %rem3A_565, %lt3A_568 : i32
        %lt3A_570 = arith.constant 0 : i32
        %lt3A_571 = arith.cmpi slt, %select_n3A_564, %lt3A_570 : i32
        %ne3A_572 = arith.xori %lt3A_569, %lt3A_571 : i1
        %and3A_573 = arith.andi %ne3A_572, %ne3A_567 : i1
        %add3A_574 = arith.addi %rem3A_565, %select_n3A_564 : i32
        %select_n3A_575 = arith.select %and3A_573, %add3A_574, %rem3A_565 : i32
        %mul3A_576 = arith.constant 64 : i32
        %mul3A_577 = arith.muli %select_n3A_559, %mul3A_576 : i32
        %mul3A_578 = arith.constant 128 : i32
        %mul3A_579 = arith.muli %select_n3A_575, %mul3A_578 : i32
        %dma_wait3A_580 = arith.constant 0 : i32
        %dma_wait3A_581 = arith.constant 0 : i32
        %dma_wait3A_582 = arith.constant 0 : i32
        %dma_wait3A_583 = tpu.memref_slice %arg7[%dma_wait3A_580, %dma_wait3A_581, %dma_wait3A_582] : memref<2x64x129xf32, #tpu.memory_space<vmem>> -> memref<1x64x128xf32, #tpu.memory_space<vmem>>
        %dma_wait3A_584 = tpu.memref_squeeze %dma_wait3A_583 : memref<1x64x128xf32, #tpu.memory_space<vmem>> -> memref<64x128xf32, #tpu.memory_space<vmem>>
        %dma_wait3A_585 = tpu.memref_slice %arg4[%mul3A_577, %mul3A_579] : memref<3200x4096xf32, #tpu.memory_space<hbm>> -> memref<64x128xf32, #tpu.memory_space<hbm>>
        %dma_wait3A_586 = tpu.memref_slice %arg4[%mul3A_577, %mul3A_579] : memref<3200x4096xf32, #tpu.memory_space<hbm>> -> memref<64x128xf32, #tpu.memory_space<hbm>>
        %dma_wait3A_587 = arith.constant 0 : i32
        %dma_wait3A_588 = arith.constant 0 : i32
        %dma_wait3A_589 = tpu.memref_slice %arg7[%dma_wait3A_580, %dma_wait3A_587, %dma_wait3A_588] : memref<2x64x129xf32, #tpu.memory_space<vmem>> -> memref<1x64x128xf32, #tpu.memory_space<vmem>>
        %dma_wait3A_590 = tpu.memref_squeeze %dma_wait3A_589 : memref<1x64x128xf32, #tpu.memory_space<vmem>> -> memref<64x128xf32, #tpu.memory_space<vmem>>
        tpu.wait_dma2 semaphore(%arg11 : memref<!tpu.dma_semaphore, #tpu.memory_space<semaphore_mem>>) src(%dma_wait3A_590 : memref<64x128xf32, #tpu.memory_space<vmem>>) dst(%dma_wait3A_586 : memref<64x128xf32, #tpu.memory_space<hbm>>)
      } else {
      }
      %parallel_loop3A = arith.constant 0 : i32
      %parallel_loop3A_278 = arith.constant 128 : i32
      %parallel_loop3A_279 = arith.constant 1 : i32
      scf.for %parallel_loop3A_532 = %parallel_loop3A to %parallel_loop3A_278 step %parallel_loop3A_279  : i32 {
        %parallel_loop3A_533 = vector.broadcast %parallel_loop3A_532 : i32 to vector<16xi32>
        %parallel_loop3A_534 = arith.constant 0 : i32
        %parallel_loop3A_535 = arith.index_cast %parallel_loop3A_534 : i32 to index
        %parallel_loop3A_536 = arith.index_cast %parallel_loop3A_532 : i32 to index
        %parallel_loop3A_537 = arith.constant 0 : index
        %parallel_loop3A_538 = tpu.vector_load %arg6[%parallel_loop3A_535, %parallel_loop3A_536, %parallel_loop3A_537] {strides = array<i32>} : memref<2x128x64xf32, #tpu.memory_space<vmem>>, vector<16xf32>,
        %parallel_loop3A_539 = arith.constant 0 : i32
        %parallel_loop3A_540 = arith.constant 0 : i32
        %parallel_loop3A_541 = arith.constant 0 : i32
        %parallel_loop3A_542 = tpu.memref_slice %arg7[%parallel_loop3A_539, %parallel_loop3A_540, %parallel_loop3A_541] : memref<2x64x129xf32, #tpu.memory_space<vmem>> -> memref<1x64x129xf32, #tpu.memory_space<vmem>>
        %parallel_loop3A_543 = tpu.memref_squeeze %parallel_loop3A_542 : memref<1x64x129xf32, #tpu.memory_space<vmem>> -> memref<64x129xf32, #tpu.memory_space<vmem>>
        tpu.vector_store_idx %parallel_loop3A_543[%add3A_5, %parallel_loop3A_533], %parallel_loop3A_538 : memref<64x129xf32, #tpu.memory_space<vmem>>[vector<16xi32>, vector<16xi32>], vector<16xf32>,
        %parallel_loop3A_544 = arith.constant 0 : i32
        %parallel_loop3A_545 = arith.index_cast %parallel_loop3A_544 : i32 to index
        %parallel_loop3A_546 = arith.index_cast %parallel_loop3A_532 : i32 to index
        %parallel_loop3A_547 = arith.constant 16 : index
        %parallel_loop3A_548 = tpu.vector_load %arg6[%parallel_loop3A_545, %parallel_loop3A_546, %parallel_loop3A_547] {strides = array<i32>} : memref<2x128x64xf32, #tpu.memory_space<vmem>>, vector<16xf32>,
        %parallel_loop3A_549 = arith.constant 0 : i32
        %parallel_loop3A_550 = arith.constant 0 : i32
        %parallel_loop3A_551 = arith.constant 0 : i32
        %parallel_loop3A_552 = tpu.memref_slice %arg7[%parallel_loop3A_549, %parallel_loop3A_550, %parallel_loop3A_551] : memref<2x64x129xf32, #tpu.memory_space<vmem>> -> memref<1x64x129xf32, #tpu.memory_space<vmem>>
        %parallel_loop3A_553 = tpu.memref_squeeze %parallel_loop3A_552 : memref<1x64x129xf32, #tpu.memory_space<vmem>> -> memref<64x129xf32, #tpu.memory_space<vmem>>
        tpu.vector_store_idx %parallel_loop3A_553[%add3A_9, %parallel_loop3A_533], %parallel_loop3A_548 : memref<64x129xf32, #tpu.memory_space<vmem>>[vector<16xi32>, vector<16xi32>], vector<16xf32>,
        %parallel_loop3A_554 = arith.constant 0 : i32
        %parallel_loop3A_555 = arith.index_cast %parallel_loop3A_554 : i32 to index
        %parallel_loop3A_556 = arith.index_cast %parallel_loop3A_532 : i32 to index
        %parallel_loop3A_557 = arith.constant 32 : index
        %parallel_loop3A_558 = tpu.vector_load %arg6[%parallel_loop3A_555, %parallel_loop3A_556, %parallel_loop3A_557] {strides = array<i32>} : memref<2x128x64xf32, #tpu.memory_space<vmem>>, vector<16xf32>,
        %parallel_loop3A_559 = arith.constant 0 : i32
        %parallel_loop3A_560 = arith.constant 0 : i32
        %parallel_loop3A_561 = arith.constant 0 : i32
        %parallel_loop3A_562 = tpu.memref_slice %arg7[%parallel_loop3A_559, %parallel_loop3A_560, %parallel_loop3A_561] : memref<2x64x129xf32, #tpu.memory_space<vmem>> -> memref<1x64x129xf32, #tpu.memory_space<vmem>>
        %parallel_loop3A_563 = tpu.memref_squeeze %parallel_loop3A_562 : memref<1x64x129xf32, #tpu.memory_space<vmem>> -> memref<64x129xf32, #tpu.memory_space<vmem>>
        tpu.vector_store_idx %parallel_loop3A_563[%add3A_13, %parallel_loop3A_533], %parallel_loop3A_558 : memref<64x129xf32, #tpu.memory_space<vmem>>[vector<16xi32>, vector<16xi32>], vector<16xf32>,
        %parallel_loop3A_564 = arith.constant 0 : i32
        %parallel_loop3A_565 = arith.index_cast %parallel_loop3A_564 : i32 to index
        %parallel_loop3A_566 = arith.index_cast %parallel_loop3A_532 : i32 to index
        %parallel_loop3A_567 = arith.constant 48 : index
        %parallel_loop3A_568 = tpu.vector_load %arg6[%parallel_loop3A_565, %parallel_loop3A_566, %parallel_loop3A_567] {strides = array<i32>} : memref<2x128x64xf32, #tpu.memory_space<vmem>>, vector<16xf32>,
        %parallel_loop3A_569 = arith.constant 0 : i32
        %parallel_loop3A_570 = arith.constant 0 : i32
        %parallel_loop3A_571 = arith.constant 0 : i32
        %parallel_loop3A_572 = tpu.memref_slice %arg7[%parallel_loop3A_569, %parallel_loop3A_570, %parallel_loop3A_571] : memref<2x64x129xf32, #tpu.memory_space<vmem>> -> memref<1x64x129xf32, #tpu.memory_space<vmem>>
        %parallel_loop3A_573 = tpu.memref_squeeze %parallel_loop3A_572 : memref<1x64x129xf32, #tpu.memory_space<vmem>> -> memref<64x129xf32, #tpu.memory_space<vmem>>
        tpu.vector_store_idx %parallel_loop3A_573[%add3A_17, %parallel_loop3A_533], %parallel_loop3A_568 : memref<64x129xf32, #tpu.memory_space<vmem>>[vector<16xi32>, vector<16xi32>], vector<16xf32>,
      } {sc.loop_unroll_factor = 8 : i64, sc.parallel_access}
      %mul3A_280 = arith.constant 50 : i32
      %mul3A_281 = arith.muli %add3A, %mul3A_280 : i32
      %add3A_282 = arith.addi %mul3A_281, %add3A_172 : i32
      %jit3A_283 = arith.constant 32 : i32
      %div3A_284 = arith.divsi %add3A_282, %jit3A_283 : i32
      %sign3A_285 = arith.constant 0 : i32
      %sign3A_286 = arith.cmpi sgt, %add3A_282, %sign3A_285 : i32
      %sign3A_287 = arith.extui %sign3A_286 : i1 to i32
      %sign3A_288 = arith.constant 0 : i32
      %sign3A_289 = arith.cmpi slt, %add3A_282, %sign3A_288 : i32
      %sign3A_290 = arith.extui %sign3A_289 : i1 to i32
      %sign3A_291 = arith.subi %sign3A_287, %sign3A_290 : i32
      %sign3A_292 = arith.constant 0 : i32
      %sign3A_293 = arith.cmpi sgt, %jit3A_283, %sign3A_292 : i32
      %sign3A_294 = arith.extui %sign3A_293 : i1 to i32
      %sign3A_295 = arith.constant 0 : i32
      %sign3A_296 = arith.cmpi slt, %jit3A_283, %sign3A_295 : i32
      %sign3A_297 = arith.extui %sign3A_296 : i1 to i32
      %sign3A_298 = arith.subi %sign3A_294, %sign3A_297 : i32
      %ne3A_299 = arith.cmpi ne, %sign3A_291, %sign3A_298 : i32
      %rem3A_300 = arith.remsi %add3A_282, %jit3A_283 : i32
      %ne3A_301 = arith.constant 0 : i32
      %ne3A_302 = arith.cmpi ne, %rem3A_300, %ne3A_301 : i32
      %and3A_303 = arith.andi %ne3A_299, %ne3A_302 : i1
      %sub3A_304 = arith.constant 1 : i32
      %sub3A_305 = arith.subi %div3A_284, %sub3A_304 : i32
      %select_n3A_306 = arith.select %and3A_303, %sub3A_305, %div3A_284 : i32
      %jit3A_307 = arith.constant 32 : i32
      %eq3A_308 = arith.constant 0 : i32
      %eq3A_309 = arith.cmpi eq, %jit3A_307, %eq3A_308 : i32
      %jit3A_310 = arith.constant 1 : i32
      %select_n3A_311 = arith.select %eq3A_309, %jit3A_310, %jit3A_307 : i32
      %rem3A_312 = arith.remsi %add3A_282, %select_n3A_311 : i32
      %ne3A_313 = arith.constant 0 : i32
      %ne3A_314 = arith.cmpi ne, %rem3A_312, %ne3A_313 : i32
      %lt3A_315 = arith.constant 0 : i32
      %lt3A_316 = arith.cmpi slt, %rem3A_312, %lt3A_315 : i32
      %lt3A_317 = arith.constant 0 : i32
      %lt3A_318 = arith.cmpi slt, %select_n3A_311, %lt3A_317 : i32
      %ne3A_319 = arith.xori %lt3A_316, %lt3A_318 : i1
      %and3A_320 = arith.andi %ne3A_319, %ne3A_314 : i1
      %add3A_321 = arith.addi %rem3A_312, %select_n3A_311 : i32
      %select_n3A_322 = arith.select %and3A_320, %add3A_321, %rem3A_312 : i32
      %mul3A_323 = arith.constant 64 : i32
      %mul3A_324 = arith.muli %select_n3A_306, %mul3A_323 : i32
      %mul3A_325 = arith.constant 128 : i32
      %mul3A_326 = arith.muli %select_n3A_322, %mul3A_325 : i32
      %dma_start3A_327 = arith.constant 0 : i32
      %dma_start3A_328 = arith.constant 0 : i32
      %dma_start3A_329 = arith.constant 0 : i32
      %dma_start3A_330 = tpu.memref_slice %arg7[%dma_start3A_327, %dma_start3A_328, %dma_start3A_329] : memref<2x64x129xf32, #tpu.memory_space<vmem>> -> memref<1x64x128xf32, #tpu.memory_space<vmem>>
      %dma_start3A_331 = tpu.memref_squeeze %dma_start3A_330 : memref<1x64x128xf32, #tpu.memory_space<vmem>> -> memref<64x128xf32, #tpu.memory_space<vmem>>
      %dma_start3A_332 = tpu.memref_slice %arg4[%mul3A_324, %mul3A_326] : memref<3200x4096xf32, #tpu.memory_space<hbm>> -> memref<64x128xf32, #tpu.memory_space<hbm>>
      %dma_start3A_333 = tpu.memref_slice %arg4[%mul3A_324, %mul3A_326] : memref<3200x4096xf32, #tpu.memory_space<hbm>> -> memref<64x128xf32, #tpu.memory_space<hbm>>
      %dma_start3A_334 = arith.constant 0 : i32
      %dma_start3A_335 = arith.constant 0 : i32
      %dma_start3A_336 = tpu.memref_slice %arg7[%dma_start3A_327, %dma_start3A_334, %dma_start3A_335] : memref<2x64x129xf32, #tpu.memory_space<vmem>> -> memref<1x64x128xf32, #tpu.memory_space<vmem>>
      %dma_start3A_337 = tpu.memref_squeeze %dma_start3A_336 : memref<1x64x128xf32, #tpu.memory_space<vmem>> -> memref<64x128xf32, #tpu.memory_space<vmem>>
      tpu.enqueue_dma source(%dma_start3A_337 : memref<64x128xf32, #tpu.memory_space<vmem>>) target(%dma_start3A_333 : memref<64x128xf32, #tpu.memory_space<hbm>>) target_semaphore(%arg11 : memref<!tpu.dma_semaphore, #tpu.memory_space<semaphore_mem>>)
      %add3A_338 = arith.constant 2 : i32
      %add3A_339 = arith.addi %add3A_172, %add3A_338 : i32
      %lt3A_340 = arith.constant 50 : i32
      %lt3A_341 = arith.cmpi slt, %add3A_339, %lt3A_340 : i32
      %convert_element_type3A_342 = arith.extui %lt3A_341 : i1 to i32
      %cond3A_343 = arith.constant 0 : i32
      %cond3A_344 = arith.cmpi ne, %convert_element_type3A_342, %cond3A_343 : i32
      scf.if %cond3A_344 {
        %add3A_532 = arith.constant 2 : i32
        %add3A_533 = arith.addi %add3A_172, %add3A_532 : i32
        %mul3A_534 = arith.constant 128 : i32
        %mul3A_535 = arith.muli %add3A_533, %mul3A_534 : i32
        %dma_start3A_536 = arith.constant 0 : i32
        %dma_start3A_537 = arith.constant 0 : i32
        %dma_start3A_538 = arith.constant 0 : i32
        %dma_start3A_539 = tpu.memref_slice %arg6[%dma_start3A_536, %dma_start3A_537, %dma_start3A_538] : memref<2x128x64xf32, #tpu.memory_space<vmem>> -> memref<1x128x64xf32, #tpu.memory_space<vmem>>
        %dma_start3A_540 = tpu.memref_squeeze %dma_start3A_539 : memref<1x128x64xf32, #tpu.memory_space<vmem>> -> memref<128x64xf32, #tpu.memory_space<vmem>>
        %dma_start3A_541 = tpu.memref_slice %arg5[%mul3A_535] : memref<6416xi32, #tpu.memory_space<vmem>> -> memref<128xi32, #tpu.memory_space<vmem>>
        %dma_start3A_542 = arith.constant 0 : i32
        %dma_start3A_543 = arith.constant 0 : i32
        %dma_start3A_544 = tpu.memref_slice %arg3[%dma_start3A_542, %dma_start3A_543] : memref<100001x64xf32, #tpu.memory_space<hbm>> -> memref<100001x64xf32, #tpu.memory_space<hbm>>
        tpu.enqueue_indirect_dma source(%dma_start3A_544 : memref<100001x64xf32, #tpu.memory_space<hbm>>) target(%dma_start3A_540 : memref<128x64xf32, #tpu.memory_space<vmem>>) offsets(%dma_start3A_541 : memref<128xi32, #tpu.memory_space<vmem>>) semaphore(%arg9 : memref<!tpu.dma_semaphore, #tpu.memory_space<semaphore_mem>>)
      } else {
      }
      %mul3A_345 = arith.constant 2 : i32
      %mul3A_346 = arith.muli %add3A_168, %mul3A_345 : i32
      %add3A_347 = arith.constant 1 : i32
      %add3A_348 = arith.addi %mul3A_346, %add3A_347 : i32
      %mul3A_349 = arith.constant 128 : i32
      %mul3A_350 = arith.muli %add3A_348, %mul3A_349 : i32
      %dma_wait3A_351 = arith.constant 1 : i32
      %dma_wait3A_352 = arith.constant 0 : i32
      %dma_wait3A_353 = arith.constant 0 : i32
      %dma_wait3A_354 = tpu.memref_slice %arg6[%dma_wait3A_351, %dma_wait3A_352, %dma_wait3A_353] : memref<2x128x64xf32, #tpu.memory_space<vmem>> -> memref<1x128x64xf32, #tpu.memory_space<vmem>>
      %dma_wait3A_355 = tpu.memref_squeeze %dma_wait3A_354 : memref<1x128x64xf32, #tpu.memory_space<vmem>> -> memref<128x64xf32, #tpu.memory_space<vmem>>
      %dma_wait3A_356 = tpu.memref_slice %arg5[%mul3A_350] : memref<6416xi32, #tpu.memory_space<vmem>> -> memref<128xi32, #tpu.memory_space<vmem>>
      %dma_wait3A_357 = arith.constant 0 : i32
      %dma_wait3A_358 = arith.constant 0 : i32
      %dma_wait3A_359 = tpu.memref_slice %arg3[%dma_wait3A_357, %dma_wait3A_358] : memref<100001x64xf32, #tpu.memory_space<hbm>> -> memref<100001x64xf32, #tpu.memory_space<hbm>>
      tpu.wait_indirect_dma semaphore(%arg10 : memref<!tpu.dma_semaphore, #tpu.memory_space<semaphore_mem>>) src(%dma_wait3A_359 : memref<100001x64xf32, #tpu.memory_space<hbm>>) dst(%dma_wait3A_355 : memref<128x64xf32, #tpu.memory_space<vmem>>)
      %broadcast_in_dim3A_360 = arith.constant false
      %broadcast_in_dim3A_361 = vector.broadcast %broadcast_in_dim3A_360 : i1 to vector<16xi1>
      %mul3A_362 = arith.constant 128 : i32
      %mul3A_363 = arith.muli %add3A_348, %mul3A_362 : i32
      %add3A_364 = arith.constant 0 : i32
      %add3A_365 = arith.addi %mul3A_363, %add3A_364 : i32
      %get3A_366 = arith.index_cast %add3A_365 : i32 to index
      %get3A_367 = tpu.vector_load %arg5[%get3A_366] {strides = array<i32>} : memref<6416xi32, #tpu.memory_space<vmem>>, vector<16xi32>,
      %eq3A_368 = arith.constant 0 : i32
      %eq3A_369 = vector.broadcast %eq3A_368 : i32 to vector<16xi32>
      %eq3A_370 = arith.cmpi eq, %get3A_367, %eq3A_369 : vector<16xi32>
      %or3A_371 = arith.ori %broadcast_in_dim3A_361, %eq3A_370 : vector<16xi1>
      %mul3A_372 = arith.constant 128 : i32
      %mul3A_373 = arith.muli %add3A_348, %mul3A_372 : i32
      %add3A_374 = arith.constant 16 : i32
      %add3A_375 = arith.addi %mul3A_373, %add3A_374 : i32
      %get3A_376 = arith.index_cast %add3A_375 : i32 to index
      %get3A_377 = tpu.vector_load %arg5[%get3A_376] {strides = array<i32>} : memref<6416xi32, #tpu.memory_space<vmem>>, vector<16xi32>,
      %eq3A_378 = arith.constant 0 : i32
      %eq3A_379 = vector.broadcast %eq3A_378 : i32 to vector<16xi32>
      %eq3A_380 = arith.cmpi eq, %get3A_377, %eq3A_379 : vector<16xi32>
      %or3A_381 = arith.ori %or3A_371, %eq3A_380 : vector<16xi1>
      %mul3A_382 = arith.constant 128 : i32
      %mul3A_383 = arith.muli %add3A_348, %mul3A_382 : i32
      %add3A_384 = arith.constant 32 : i32
      %add3A_385 = arith.addi %mul3A_383, %add3A_384 : i32
      %get3A_386 = arith.index_cast %add3A_385 : i32 to index
      %get3A_387 = tpu.vector_load %arg5[%get3A_386] {strides = array<i32>} : memref<6416xi32, #tpu.memory_space<vmem>>, vector<16xi32>,
      %eq3A_388 = arith.constant 0 : i32
      %eq3A_389 = vector.broadcast %eq3A_388 : i32 to vector<16xi32>
      %eq3A_390 = arith.cmpi eq, %get3A_387, %eq3A_389 : vector<16xi32>
      %or3A_391 = arith.ori %or3A_381, %eq3A_390 : vector<16xi1>
      %mul3A_392 = arith.constant 128 : i32
      %mul3A_393 = arith.muli %add3A_348, %mul3A_392 : i32
      %add3A_394 = arith.constant 48 : i32
      %add3A_395 = arith.addi %mul3A_393, %add3A_394 : i32
      %get3A_396 = arith.index_cast %add3A_395 : i32 to index
      %get3A_397 = tpu.vector_load %arg5[%get3A_396] {strides = array<i32>} : memref<6416xi32, #tpu.memory_space<vmem>>, vector<16xi32>,
      %eq3A_398 = arith.constant 0 : i32
      %eq3A_399 = vector.broadcast %eq3A_398 : i32 to vector<16xi32>
      %eq3A_400 = arith.cmpi eq, %get3A_397, %eq3A_399 : vector<16xi32>
      %or3A_401 = arith.ori %or3A_391, %eq3A_400 : vector<16xi1>
      %mul3A_402 = arith.constant 128 : i32
      %mul3A_403 = arith.muli %add3A_348, %mul3A_402 : i32
      %add3A_404 = arith.constant 64 : i32
      %add3A_405 = arith.addi %mul3A_403, %add3A_404 : i32
      %get3A_406 = arith.index_cast %add3A_405 : i32 to index
      %get3A_407 = tpu.vector_load %arg5[%get3A_406] {strides = array<i32>} : memref<6416xi32, #tpu.memory_space<vmem>>, vector<16xi32>,
      %eq3A_408 = arith.constant 0 : i32
      %eq3A_409 = vector.broadcast %eq3A_408 : i32 to vector<16xi32>
      %eq3A_410 = arith.cmpi eq, %get3A_407, %eq3A_409 : vector<16xi32>
      %or3A_411 = arith.ori %or3A_401, %eq3A_410 : vector<16xi1>
      %mul3A_412 = arith.constant 128 : i32
      %mul3A_413 = arith.muli %add3A_348, %mul3A_412 : i32
      %add3A_414 = arith.constant 80 : i32
      %add3A_415 = arith.addi %mul3A_413, %add3A_414 : i32
      %get3A_416 = arith.index_cast %add3A_415 : i32 to index
      %get3A_417 = tpu.vector_load %arg5[%get3A_416] {strides = array<i32>} : memref<6416xi32, #tpu.memory_space<vmem>>, vector<16xi32>,
      %eq3A_418 = arith.constant 0 : i32
      %eq3A_419 = vector.broadcast %eq3A_418 : i32 to vector<16xi32>
      %eq3A_420 = arith.cmpi eq, %get3A_417, %eq3A_419 : vector<16xi32>
      %or3A_421 = arith.ori %or3A_411, %eq3A_420 : vector<16xi1>
      %mul3A_422 = arith.constant 128 : i32
      %mul3A_423 = arith.muli %add3A_348, %mul3A_422 : i32
      %add3A_424 = arith.constant 96 : i32
      %add3A_425 = arith.addi %mul3A_423, %add3A_424 : i32
      %get3A_426 = arith.index_cast %add3A_425 : i32 to index
      %get3A_427 = tpu.vector_load %arg5[%get3A_426] {strides = array<i32>} : memref<6416xi32, #tpu.memory_space<vmem>>, vector<16xi32>,
      %eq3A_428 = arith.constant 0 : i32
      %eq3A_429 = vector.broadcast %eq3A_428 : i32 to vector<16xi32>
      %eq3A_430 = arith.cmpi eq, %get3A_427, %eq3A_429 : vector<16xi32>
      %or3A_431 = arith.ori %or3A_421, %eq3A_430 : vector<16xi1>
      %mul3A_432 = arith.constant 128 : i32
      %mul3A_433 = arith.muli %add3A_348, %mul3A_432 : i32
      %add3A_434 = arith.constant 112 : i32
      %add3A_435 = arith.addi %mul3A_433, %add3A_434 : i32
      %get3A_436 = arith.index_cast %add3A_435 : i32 to index
      %get3A_437 = tpu.vector_load %arg5[%get3A_436] {strides = array<i32>} : memref<6416xi32, #tpu.memory_space<vmem>>, vector<16xi32>,
      %eq3A_438 = arith.constant 0 : i32
      %eq3A_439 = vector.broadcast %eq3A_438 : i32 to vector<16xi32>
      %eq3A_440 = arith.cmpi eq, %get3A_437, %eq3A_439 : vector<16xi32>
      %or3A_441 = arith.ori %or3A_431, %eq3A_440 : vector<16xi1>
      %broadcast_in_dim3A_442 = arith.constant 0 : i32
      %broadcast_in_dim3A_443 = vector.broadcast %broadcast_in_dim3A_442 : i32 to vector<16xi32>
      %swap3A_444 = arith.constant 0 : index
      %swap3A_445 = tpu.vector_load %arg8[%swap3A_444] {strides = array<i32>} : memref<16xi32, #tpu.memory_space<vmem>>, vector<16xi32>,
      tpu.vector_store %arg8[%swap3A_444], %broadcast_in_dim3A_443 {strides = array<i32>} : memref<16xi32, #tpu.memory_space<vmem>>, vector<16xi32>,
      %broadcast_in_dim3A_446 = arith.constant 0 : i32
      %broadcast_in_dim3A_447 = vector.broadcast %broadcast_in_dim3A_446 : i32 to vector<16xi32>
      %broadcast_in_dim3A_448 = arith.constant 1 : i32
      %broadcast_in_dim3A_449 = vector.broadcast %broadcast_in_dim3A_448 : i32 to vector<16xi32>
      tpu.vector_store_idx %arg8[%broadcast_in_dim3A_447], %broadcast_in_dim3A_449 masked %or3A_441 : memref<16xi32, #tpu.memory_space<vmem>>[vector<16xi32>], vector<16xi32>, vector<16xi1>
      %get3A_450 = arith.constant 0 : index
      %get3A_451 = tpu.vector_load %arg8[%get3A_450] {strides = array<i32>} : memref<16xi32, #tpu.memory_space<vmem>>, vector<16xi32>,
      %slice3A_452 = vector.extract_strided_slice %get3A_451 {offsets = [0], sizes = [1], strides = [1]} : vector<16xi32> to vector<1xi32>
      %squeeze3A_453 = vector.extract %slice3A_452[0] : i32 from vector<1xi32>
      %gt3A_454 = arith.constant 0 : i32
      %gt3A_455 = arith.cmpi sgt, %squeeze3A_453, %gt3A_454 : i32
      %convert_element_type3A_456 = arith.extui %gt3A_455 : i1 to i32
      %cond3A_457 = arith.constant 0 : i32
      %cond3A_458 = arith.cmpi ne, %convert_element_type3A_456, %cond3A_457 : i32
      scf.if %cond3A_458 {
        %scan3A_532 = arith.constant 0 : i32
        %scan3A_533 = arith.constant 128 : i32
        %scan3A_534 = arith.addi %scan3A_532, %scan3A_533 : i32
        %scan3A_535 = arith.constant 1 : i32
        scf.for %scan3A_537 = %scan3A_532 to %scan3A_534 step %scan3A_535  : i32 {
          %mul3A_538 = arith.constant 1 : i32
          %mul3A_539 = arith.muli %scan3A_537, %mul3A_538 : i32
          %add3A_540 = arith.constant 0 : i32
          %add3A_541 = arith.addi %add3A_540, %mul3A_539 : i32
          %mul3A_542 = arith.constant 128 : i32
          %mul3A_543 = arith.muli %add3A_348, %mul3A_542 : i32
          %add3A_544 = arith.addi %mul3A_543, %add3A_541 : i32
          %get3A_545 = arith.index_cast %add3A_544 : i32 to index
          %get3A_546 = tpu.vector_load %arg5[%get3A_545] {strides = array<i32>} : memref<6416xi32, #tpu.memory_space<vmem>>, vector<16xi32>,
          %slice3A_547 = vector.extract_strided_slice %get3A_546 {offsets = [0], sizes = [1], strides = [1]} : vector<16xi32> to vector<1xi32>
          %squeeze3A_548 = vector.extract %slice3A_547[0] : i32 from vector<1xi32>
          %eq3A_549 = arith.constant 0 : i32
          %eq3A_550 = arith.cmpi eq, %squeeze3A_548, %eq3A_549 : i32
          %convert_element_type3A_551 = arith.extui %eq3A_550 : i1 to i32
          %cond3A_552 = arith.constant 0 : i32
          %cond3A_553 = arith.cmpi ne, %convert_element_type3A_551, %cond3A_552 : i32
          scf.if %cond3A_553 {
            %broadcast_in_dim3A_554 = arith.constant 0.000000e+00 : f32
            %broadcast_in_dim3A_555 = vector.broadcast %broadcast_in_dim3A_554 : f32 to vector<16xf32>
            %broadcast_in_dim3A_556 = vector.broadcast %add3A_541 : i32 to vector<16xi32>
            %iota3A_557 = tpu.iota {dimensions = array<i32: 0>} : vector<16xi32>
            %add3A_558 = arith.constant 0 : i32
            %add3A_559 = vector.broadcast %add3A_558 : i32 to vector<16xi32>
            %add3A_560 = arith.addi %iota3A_557, %add3A_559 : vector<16xi32>
            %scatter3A = arith.constant 1 : i32
            %scatter3A_561 = arith.constant 0 : i32
            %scatter3A_562 = arith.constant 0 : i32
            %scatter3A_563 = tpu.memref_slice %arg6[%scatter3A, %scatter3A_561, %scatter3A_562] : memref<2x128x64xf32, #tpu.memory_space<vmem>> -> memref<1x128x64xf32, #tpu.memory_space<vmem>>
            %scatter3A_564 = tpu.memref_squeeze %scatter3A_563 : memref<1x128x64xf32, #tpu.memory_space<vmem>> -> memref<128x64xf32, #tpu.memory_space<vmem>>
            tpu.vector_store_idx %scatter3A_564[%broadcast_in_dim3A_556, %add3A_560], %broadcast_in_dim3A_555 : memref<128x64xf32, #tpu.memory_space<vmem>>[vector<16xi32>, vector<16xi32>], vector<16xf32>,
            %add3A_565 = arith.constant 16 : i32
            %add3A_566 = vector.broadcast %add3A_565 : i32 to vector<16xi32>
            %add3A_567 = arith.addi %iota3A_557, %add3A_566 : vector<16xi32>
            %scatter3A_568 = arith.constant 1 : i32
            %scatter3A_569 = arith.constant 0 : i32
            %scatter3A_570 = arith.constant 0 : i32
            %scatter3A_571 = tpu.memref_slice %arg6[%scatter3A_568, %scatter3A_569, %scatter3A_570] : memref<2x128x64xf32, #tpu.memory_space<vmem>> -> memref<1x128x64xf32, #tpu.memory_space<vmem>>
            %scatter3A_572 = tpu.memref_squeeze %scatter3A_571 : memref<1x128x64xf32, #tpu.memory_space<vmem>> -> memref<128x64xf32, #tpu.memory_space<vmem>>
            tpu.vector_store_idx %scatter3A_572[%broadcast_in_dim3A_556, %add3A_567], %broadcast_in_dim3A_555 : memref<128x64xf32, #tpu.memory_space<vmem>>[vector<16xi32>, vector<16xi32>], vector<16xf32>,
            %add3A_573 = arith.constant 32 : i32
            %add3A_574 = vector.broadcast %add3A_573 : i32 to vector<16xi32>
            %add3A_575 = arith.addi %iota3A_557, %add3A_574 : vector<16xi32>
            %scatter3A_576 = arith.constant 1 : i32
            %scatter3A_577 = arith.constant 0 : i32
            %scatter3A_578 = arith.constant 0 : i32
            %scatter3A_579 = tpu.memref_slice %arg6[%scatter3A_576, %scatter3A_577, %scatter3A_578] : memref<2x128x64xf32, #tpu.memory_space<vmem>> -> memref<1x128x64xf32, #tpu.memory_space<vmem>>
            %scatter3A_580 = tpu.memref_squeeze %scatter3A_579 : memref<1x128x64xf32, #tpu.memory_space<vmem>> -> memref<128x64xf32, #tpu.memory_space<vmem>>
            tpu.vector_store_idx %scatter3A_580[%broadcast_in_dim3A_556, %add3A_575], %broadcast_in_dim3A_555 : memref<128x64xf32, #tpu.memory_space<vmem>>[vector<16xi32>, vector<16xi32>], vector<16xf32>,
            %add3A_581 = arith.constant 48 : i32
            %add3A_582 = vector.broadcast %add3A_581 : i32 to vector<16xi32>
            %add3A_583 = arith.addi %iota3A_557, %add3A_582 : vector<16xi32>
            %scatter3A_584 = arith.constant 1 : i32
            %scatter3A_585 = arith.constant 0 : i32
            %scatter3A_586 = arith.constant 0 : i32
            %scatter3A_587 = tpu.memref_slice %arg6[%scatter3A_584, %scatter3A_585, %scatter3A_586] : memref<2x128x64xf32, #tpu.memory_space<vmem>> -> memref<1x128x64xf32, #tpu.memory_space<vmem>>
            %scatter3A_588 = tpu.memref_squeeze %scatter3A_587 : memref<1x128x64xf32, #tpu.memory_space<vmem>> -> memref<128x64xf32, #tpu.memory_space<vmem>>
            tpu.vector_store_idx %scatter3A_588[%broadcast_in_dim3A_556, %add3A_583], %broadcast_in_dim3A_555 : memref<128x64xf32, #tpu.memory_space<vmem>>[vector<16xi32>, vector<16xi32>], vector<16xf32>,
          } else {
          }
        }
        %scan3A_536 = arith.constant 128 : i32
      } else {
      }
      %ge3A_459 = arith.constant 2 : i32
      %ge3A_460 = arith.cmpi sge, %add3A_348, %ge3A_459 : i32
      %convert_element_type3A_461 = arith.extui %ge3A_460 : i1 to i32
      %cond3A_462 = arith.constant 0 : i32
      %cond3A_463 = arith.cmpi ne, %convert_element_type3A_461, %cond3A_462 : i32
      scf.if %cond3A_463 {
        %mul3A_532 = arith.constant 50 : i32
        %mul3A_533 = arith.muli %add3A, %mul3A_532 : i32
        %add3A_534 = arith.constant 0 : i32
        %add3A_535 = arith.addi %mul3A_533, %add3A_534 : i32
        %jit3A_536 = arith.constant 32 : i32
        %div3A_537 = arith.divsi %add3A_535, %jit3A_536 : i32
        %sign3A_538 = arith.constant 0 : i32
        %sign3A_539 = arith.cmpi sgt, %add3A_535, %sign3A_538 : i32
        %sign3A_540 = arith.extui %sign3A_539 : i1 to i32
        %sign3A_541 = arith.constant 0 : i32
        %sign3A_542 = arith.cmpi slt, %add3A_535, %sign3A_541 : i32
        %sign3A_543 = arith.extui %sign3A_542 : i1 to i32
        %sign3A_544 = arith.subi %sign3A_540, %sign3A_543 : i32
        %sign3A_545 = arith.constant 0 : i32
        %sign3A_546 = arith.cmpi sgt, %jit3A_536, %sign3A_545 : i32
        %sign3A_547 = arith.extui %sign3A_546 : i1 to i32
        %sign3A_548 = arith.constant 0 : i32
        %sign3A_549 = arith.cmpi slt, %jit3A_536, %sign3A_548 : i32
        %sign3A_550 = arith.extui %sign3A_549 : i1 to i32
        %sign3A_551 = arith.subi %sign3A_547, %sign3A_550 : i32
        %ne3A_552 = arith.cmpi ne, %sign3A_544, %sign3A_551 : i32
        %rem3A_553 = arith.remsi %add3A_535, %jit3A_536 : i32
        %ne3A_554 = arith.constant 0 : i32
        %ne3A_555 = arith.cmpi ne, %rem3A_553, %ne3A_554 : i32
        %and3A_556 = arith.andi %ne3A_552, %ne3A_555 : i1
        %sub3A_557 = arith.constant 1 : i32
        %sub3A_558 = arith.subi %div3A_537, %sub3A_557 : i32
        %select_n3A_559 = arith.select %and3A_556, %sub3A_558, %div3A_537 : i32
        %jit3A_560 = arith.constant 32 : i32
        %eq3A_561 = arith.constant 0 : i32
        %eq3A_562 = arith.cmpi eq, %jit3A_560, %eq3A_561 : i32
        %jit3A_563 = arith.constant 1 : i32
        %select_n3A_564 = arith.select %eq3A_562, %jit3A_563, %jit3A_560 : i32
        %rem3A_565 = arith.remsi %add3A_535, %select_n3A_564 : i32
        %ne3A_566 = arith.constant 0 : i32
        %ne3A_567 = arith.cmpi ne, %rem3A_565, %ne3A_566 : i32
        %lt3A_568 = arith.constant 0 : i32
        %lt3A_569 = arith.cmpi slt, %rem3A_565, %lt3A_568 : i32
        %lt3A_570 = arith.constant 0 : i32
        %lt3A_571 = arith.cmpi slt, %select_n3A_564, %lt3A_570 : i32
        %ne3A_572 = arith.xori %lt3A_569, %lt3A_571 : i1
        %and3A_573 = arith.andi %ne3A_572, %ne3A_567 : i1
        %add3A_574 = arith.addi %rem3A_565, %select_n3A_564 : i32
        %select_n3A_575 = arith.select %and3A_573, %add3A_574, %rem3A_565 : i32
        %mul3A_576 = arith.constant 64 : i32
        %mul3A_577 = arith.muli %select_n3A_559, %mul3A_576 : i32
        %mul3A_578 = arith.constant 128 : i32
        %mul3A_579 = arith.muli %select_n3A_575, %mul3A_578 : i32
        %dma_wait3A_580 = arith.constant 1 : i32
        %dma_wait3A_581 = arith.constant 0 : i32
        %dma_wait3A_582 = arith.constant 0 : i32
        %dma_wait3A_583 = tpu.memref_slice %arg7[%dma_wait3A_580, %dma_wait3A_581, %dma_wait3A_582] : memref<2x64x129xf32, #tpu.memory_space<vmem>> -> memref<1x64x128xf32, #tpu.memory_space<vmem>>
        %dma_wait3A_584 = tpu.memref_squeeze %dma_wait3A_583 : memref<1x64x128xf32, #tpu.memory_space<vmem>> -> memref<64x128xf32, #tpu.memory_space<vmem>>
        %dma_wait3A_585 = tpu.memref_slice %arg4[%mul3A_577, %mul3A_579] : memref<3200x4096xf32, #tpu.memory_space<hbm>> -> memref<64x128xf32, #tpu.memory_space<hbm>>
        %dma_wait3A_586 = tpu.memref_slice %arg4[%mul3A_577, %mul3A_579] : memref<3200x4096xf32, #tpu.memory_space<hbm>> -> memref<64x128xf32, #tpu.memory_space<hbm>>
        %dma_wait3A_587 = arith.constant 0 : i32
        %dma_wait3A_588 = arith.constant 0 : i32
        %dma_wait3A_589 = tpu.memref_slice %arg7[%dma_wait3A_580, %dma_wait3A_587, %dma_wait3A_588] : memref<2x64x129xf32, #tpu.memory_space<vmem>> -> memref<1x64x128xf32, #tpu.memory_space<vmem>>
        %dma_wait3A_590 = tpu.memref_squeeze %dma_wait3A_589 : memref<1x64x128xf32, #tpu.memory_space<vmem>> -> memref<64x128xf32, #tpu.memory_space<vmem>>
        tpu.wait_dma2 semaphore(%arg12 : memref<!tpu.dma_semaphore, #tpu.memory_space<semaphore_mem>>) src(%dma_wait3A_590 : memref<64x128xf32, #tpu.memory_space<vmem>>) dst(%dma_wait3A_586 : memref<64x128xf32, #tpu.memory_space<hbm>>)
      } else {
      }
      %parallel_loop3A_464 = arith.constant 0 : i32
      %parallel_loop3A_465 = arith.constant 128 : i32
      %parallel_loop3A_466 = arith.constant 1 : i32
      scf.for %parallel_loop3A_532 = %parallel_loop3A_464 to %parallel_loop3A_465 step %parallel_loop3A_466  : i32 {
        %parallel_loop3A_533 = vector.broadcast %parallel_loop3A_532 : i32 to vector<16xi32>
        %parallel_loop3A_534 = arith.constant 1 : i32
        %parallel_loop3A_535 = arith.index_cast %parallel_loop3A_534 : i32 to index
        %parallel_loop3A_536 = arith.index_cast %parallel_loop3A_532 : i32 to index
        %parallel_loop3A_537 = arith.constant 0 : index
        %parallel_loop3A_538 = tpu.vector_load %arg6[%parallel_loop3A_535, %parallel_loop3A_536, %parallel_loop3A_537] {strides = array<i32>} : memref<2x128x64xf32, #tpu.memory_space<vmem>>, vector<16xf32>,
        %parallel_loop3A_539 = arith.constant 1 : i32
        %parallel_loop3A_540 = arith.constant 0 : i32
        %parallel_loop3A_541 = arith.constant 0 : i32
        %parallel_loop3A_542 = tpu.memref_slice %arg7[%parallel_loop3A_539, %parallel_loop3A_540, %parallel_loop3A_541] : memref<2x64x129xf32, #tpu.memory_space<vmem>> -> memref<1x64x129xf32, #tpu.memory_space<vmem>>
        %parallel_loop3A_543 = tpu.memref_squeeze %parallel_loop3A_542 : memref<1x64x129xf32, #tpu.memory_space<vmem>> -> memref<64x129xf32, #tpu.memory_space<vmem>>
        tpu.vector_store_idx %parallel_loop3A_543[%add3A_5, %parallel_loop3A_533], %parallel_loop3A_538 : memref<64x129xf32, #tpu.memory_space<vmem>>[vector<16xi32>, vector<16xi32>], vector<16xf32>,
        %parallel_loop3A_544 = arith.constant 1 : i32
        %parallel_loop3A_545 = arith.index_cast %parallel_loop3A_544 : i32 to index
        %parallel_loop3A_546 = arith.index_cast %parallel_loop3A_532 : i32 to index
        %parallel_loop3A_547 = arith.constant 16 : index
        %parallel_loop3A_548 = tpu.vector_load %arg6[%parallel_loop3A_545, %parallel_loop3A_546, %parallel_loop3A_547] {strides = array<i32>} : memref<2x128x64xf32, #tpu.memory_space<vmem>>, vector<16xf32>,
        %parallel_loop3A_549 = arith.constant 1 : i32
        %parallel_loop3A_550 = arith.constant 0 : i32
        %parallel_loop3A_551 = arith.constant 0 : i32
        %parallel_loop3A_552 = tpu.memref_slice %arg7[%parallel_loop3A_549, %parallel_loop3A_550, %parallel_loop3A_551] : memref<2x64x129xf32, #tpu.memory_space<vmem>> -> memref<1x64x129xf32, #tpu.memory_space<vmem>>
        %parallel_loop3A_553 = tpu.memref_squeeze %parallel_loop3A_552 : memref<1x64x129xf32, #tpu.memory_space<vmem>> -> memref<64x129xf32, #tpu.memory_space<vmem>>
        tpu.vector_store_idx %parallel_loop3A_553[%add3A_9, %parallel_loop3A_533], %parallel_loop3A_548 : memref<64x129xf32, #tpu.memory_space<vmem>>[vector<16xi32>, vector<16xi32>], vector<16xf32>,
        %parallel_loop3A_554 = arith.constant 1 : i32
        %parallel_loop3A_555 = arith.index_cast %parallel_loop3A_554 : i32 to index
        %parallel_loop3A_556 = arith.index_cast %parallel_loop3A_532 : i32 to index
        %parallel_loop3A_557 = arith.constant 32 : index
        %parallel_loop3A_558 = tpu.vector_load %arg6[%parallel_loop3A_555, %parallel_loop3A_556, %parallel_loop3A_557] {strides = array<i32>} : memref<2x128x64xf32, #tpu.memory_space<vmem>>, vector<16xf32>,
        %parallel_loop3A_559 = arith.constant 1 : i32
        %parallel_loop3A_560 = arith.constant 0 : i32
        %parallel_loop3A_561 = arith.constant 0 : i32
        %parallel_loop3A_562 = tpu.memref_slice %arg7[%parallel_loop3A_559, %parallel_loop3A_560, %parallel_loop3A_561] : memref<2x64x129xf32, #tpu.memory_space<vmem>> -> memref<1x64x129xf32, #tpu.memory_space<vmem>>
        %parallel_loop3A_563 = tpu.memref_squeeze %parallel_loop3A_562 : memref<1x64x129xf32, #tpu.memory_space<vmem>> -> memref<64x129xf32, #tpu.memory_space<vmem>>
        tpu.vector_store_idx %parallel_loop3A_563[%add3A_13, %parallel_loop3A_533], %parallel_loop3A_558 : memref<64x129xf32, #tpu.memory_space<vmem>>[vector<16xi32>, vector<16xi32>], vector<16xf32>,
        %parallel_loop3A_564 = arith.constant 1 : i32
        %parallel_loop3A_565 = arith.index_cast %parallel_loop3A_564 : i32 to index
        %parallel_loop3A_566 = arith.index_cast %parallel_loop3A_532 : i32 to index
        %parallel_loop3A_567 = arith.constant 48 : index
        %parallel_loop3A_568 = tpu.vector_load %arg6[%parallel_loop3A_565, %parallel_loop3A_566, %parallel_loop3A_567] {strides = array<i32>} : memref<2x128x64xf32, #tpu.memory_space<vmem>>, vector<16xf32>,
        %parallel_loop3A_569 = arith.constant 1 : i32
        %parallel_loop3A_570 = arith.constant 0 : i32
        %parallel_loop3A_571 = arith.constant 0 : i32
        %parallel_loop3A_572 = tpu.memref_slice %arg7[%parallel_loop3A_569, %parallel_loop3A_570, %parallel_loop3A_571] : memref<2x64x129xf32, #tpu.memory_space<vmem>> -> memref<1x64x129xf32, #tpu.memory_space<vmem>>
        %parallel_loop3A_573 = tpu.memref_squeeze %parallel_loop3A_572 : memref<1x64x129xf32, #tpu.memory_space<vmem>> -> memref<64x129xf32, #tpu.memory_space<vmem>>
        tpu.vector_store_idx %parallel_loop3A_573[%add3A_17, %parallel_loop3A_533], %parallel_loop3A_568 : memref<64x129xf32, #tpu.memory_space<vmem>>[vector<16xi32>, vector<16xi32>], vector<16xf32>,
      } {sc.loop_unroll_factor = 8 : i64, sc.parallel_access}
      %mul3A_467 = arith.constant 50 : i32
      %mul3A_468 = arith.muli %add3A, %mul3A_467 : i32
      %add3A_469 = arith.addi %mul3A_468, %add3A_348 : i32
      %jit3A_470 = arith.constant 32 : i32
      %div3A_471 = arith.divsi %add3A_469, %jit3A_470 : i32
      %sign3A_472 = arith.constant 0 : i32
      %sign3A_473 = arith.cmpi sgt, %add3A_469, %sign3A_472 : i32
      %sign3A_474 = arith.extui %sign3A_473 : i1 to i32
      %sign3A_475 = arith.constant 0 : i32
      %sign3A_476 = arith.cmpi slt, %add3A_469, %sign3A_475 : i32
      %sign3A_477 = arith.extui %sign3A_476 : i1 to i32
      %sign3A_478 = arith.subi %sign3A_474, %sign3A_477 : i32
      %sign3A_479 = arith.constant 0 : i32
      %sign3A_480 = arith.cmpi sgt, %jit3A_470, %sign3A_479 : i32
      %sign3A_481 = arith.extui %sign3A_480 : i1 to i32
      %sign3A_482 = arith.constant 0 : i32
      %sign3A_483 = arith.cmpi slt, %jit3A_470, %sign3A_482 : i32
      %sign3A_484 = arith.extui %sign3A_483 : i1 to i32
      %sign3A_485 = arith.subi %sign3A_481, %sign3A_484 : i32
      %ne3A_486 = arith.cmpi ne, %sign3A_478, %sign3A_485 : i32
      %rem3A_487 = arith.remsi %add3A_469, %jit3A_470 : i32
      %ne3A_488 = arith.constant 0 : i32
      %ne3A_489 = arith.cmpi ne, %rem3A_487, %ne3A_488 : i32
      %and3A_490 = arith.andi %ne3A_486, %ne3A_489 : i1
      %sub3A_491 = arith.constant 1 : i32
      %sub3A_492 = arith.subi %div3A_471, %sub3A_491 : i32
      %select_n3A_493 = arith.select %and3A_490, %sub3A_492, %div3A_471 : i32
      %jit3A_494 = arith.constant 32 : i32
      %eq3A_495 = arith.constant 0 : i32
      %eq3A_496 = arith.cmpi eq, %jit3A_494, %eq3A_495 : i32
      %jit3A_497 = arith.constant 1 : i32
      %select_n3A_498 = arith.select %eq3A_496, %jit3A_497, %jit3A_494 : i32
      %rem3A_499 = arith.remsi %add3A_469, %select_n3A_498 : i32
      %ne3A_500 = arith.constant 0 : i32
      %ne3A_501 = arith.cmpi ne, %rem3A_499, %ne3A_500 : i32
      %lt3A_502 = arith.constant 0 : i32
      %lt3A_503 = arith.cmpi slt, %rem3A_499, %lt3A_502 : i32
      %lt3A_504 = arith.constant 0 : i32
      %lt3A_505 = arith.cmpi slt, %select_n3A_498, %lt3A_504 : i32
      %ne3A_506 = arith.xori %lt3A_503, %lt3A_505 : i1
      %and3A_507 = arith.andi %ne3A_506, %ne3A_501 : i1
      %add3A_508 = arith.addi %rem3A_499, %select_n3A_498 : i32
      %select_n3A_509 = arith.select %and3A_507, %add3A_508, %rem3A_499 : i32
      %mul3A_510 = arith.constant 64 : i32
      %mul3A_511 = arith.muli %select_n3A_493, %mul3A_510 : i32
      %mul3A_512 = arith.constant 128 : i32
      %mul3A_513 = arith.muli %select_n3A_509, %mul3A_512 : i32
      %dma_start3A_514 = arith.constant 1 : i32
      %dma_start3A_515 = arith.constant 0 : i32
      %dma_start3A_516 = arith.constant 0 : i32
      %dma_start3A_517 = tpu.memref_slice %arg7[%dma_start3A_514, %dma_start3A_515, %dma_start3A_516] : memref<2x64x129xf32, #tpu.memory_space<vmem>> -> memref<1x64x128xf32, #tpu.memory_space<vmem>>
      %dma_start3A_518 = tpu.memref_squeeze %dma_start3A_517 : memref<1x64x128xf32, #tpu.memory_space<vmem>> -> memref<64x128xf32, #tpu.memory_space<vmem>>
      %dma_start3A_519 = tpu.memref_slice %arg4[%mul3A_511, %mul3A_513] : memref<3200x4096xf32, #tpu.memory_space<hbm>> -> memref<64x128xf32, #tpu.memory_space<hbm>>
      %dma_start3A_520 = tpu.memref_slice %arg4[%mul3A_511, %mul3A_513] : memref<3200x4096xf32, #tpu.memory_space<hbm>> -> memref<64x128xf32, #tpu.memory_space<hbm>>
      %dma_start3A_521 = arith.constant 0 : i32
      %dma_start3A_522 = arith.constant 0 : i32
      %dma_start3A_523 = tpu.memref_slice %arg7[%dma_start3A_514, %dma_start3A_521, %dma_start3A_522] : memref<2x64x129xf32, #tpu.memory_space<vmem>> -> memref<1x64x128xf32, #tpu.memory_space<vmem>>
      %dma_start3A_524 = tpu.memref_squeeze %dma_start3A_523 : memref<1x64x128xf32, #tpu.memory_space<vmem>> -> memref<64x128xf32, #tpu.memory_space<vmem>>
      tpu.enqueue_dma source(%dma_start3A_524 : memref<64x128xf32, #tpu.memory_space<vmem>>) target(%dma_start3A_520 : memref<64x128xf32, #tpu.memory_space<hbm>>) target_semaphore(%arg12 : memref<!tpu.dma_semaphore, #tpu.memory_space<semaphore_mem>>)
      %add3A_525 = arith.constant 2 : i32
      %add3A_526 = arith.addi %add3A_348, %add3A_525 : i32
      %lt3A_527 = arith.constant 50 : i32
      %lt3A_528 = arith.cmpi slt, %add3A_526, %lt3A_527 : i32
      %convert_element_type3A_529 = arith.extui %lt3A_528 : i1 to i32
      %cond3A_530 = arith.constant 0 : i32
      %cond3A_531 = arith.cmpi ne, %convert_element_type3A_529, %cond3A_530 : i32
      scf.if %cond3A_531 {
        %add3A_532 = arith.constant 2 : i32
        %add3A_533 = arith.addi %add3A_348, %add3A_532 : i32
        %mul3A_534 = arith.constant 128 : i32
        %mul3A_535 = arith.muli %add3A_533, %mul3A_534 : i32
        %dma_start3A_536 = arith.constant 1 : i32
        %dma_start3A_537 = arith.constant 0 : i32
        %dma_start3A_538 = arith.constant 0 : i32
        %dma_start3A_539 = tpu.memref_slice %arg6[%dma_start3A_536, %dma_start3A_537, %dma_start3A_538] : memref<2x128x64xf32, #tpu.memory_space<vmem>> -> memref<1x128x64xf32, #tpu.memory_space<vmem>>
        %dma_start3A_540 = tpu.memref_squeeze %dma_start3A_539 : memref<1x128x64xf32, #tpu.memory_space<vmem>> -> memref<128x64xf32, #tpu.memory_space<vmem>>
        %dma_start3A_541 = tpu.memref_slice %arg5[%mul3A_535] : memref<6416xi32, #tpu.memory_space<vmem>> -> memref<128xi32, #tpu.memory_space<vmem>>
        %dma_start3A_542 = arith.constant 0 : i32
        %dma_start3A_543 = arith.constant 0 : i32
        %dma_start3A_544 = tpu.memref_slice %arg3[%dma_start3A_542, %dma_start3A_543] : memref<100001x64xf32, #tpu.memory_space<hbm>> -> memref<100001x64xf32, #tpu.memory_space<hbm>>
        tpu.enqueue_indirect_dma source(%dma_start3A_544 : memref<100001x64xf32, #tpu.memory_space<hbm>>) target(%dma_start3A_540 : memref<128x64xf32, #tpu.memory_space<vmem>>) offsets(%dma_start3A_541 : memref<128xi32, #tpu.memory_space<vmem>>) semaphore(%arg10 : memref<!tpu.dma_semaphore, #tpu.memory_space<semaphore_mem>>)
      } else {
      }
    }
    %scan3A_56 = arith.constant 25 : i32
    %mul3A_57 = arith.constant 50 : i32
    %mul3A_58 = arith.muli %add3A, %mul3A_57 : i32
    %add3A_59 = arith.constant 0 : i32
    %add3A_60 = arith.addi %mul3A_58, %add3A_59 : i32
    %jit3A = arith.constant 32 : i32
    %div3A = arith.divsi %add3A_60, %jit3A : i32
    %sign3A = arith.constant 0 : i32
    %sign3A_61 = arith.cmpi sgt, %add3A_60, %sign3A : i32
    %sign3A_62 = arith.extui %sign3A_61 : i1 to i32
    %sign3A_63 = arith.constant 0 : i32
    %sign3A_64 = arith.cmpi slt, %add3A_60, %sign3A_63 : i32
    %sign3A_65 = arith.extui %sign3A_64 : i1 to i32
    %sign3A_66 = arith.subi %sign3A_62, %sign3A_65 : i32
    %sign3A_67 = arith.constant 0 : i32
    %sign3A_68 = arith.cmpi sgt, %jit3A, %sign3A_67 : i32
    %sign3A_69 = arith.extui %sign3A_68 : i1 to i32
    %sign3A_70 = arith.constant 0 : i32
    %sign3A_71 = arith.cmpi slt, %jit3A, %sign3A_70 : i32
    %sign3A_72 = arith.extui %sign3A_71 : i1 to i32
    %sign3A_73 = arith.subi %sign3A_69, %sign3A_72 : i32
    %ne3A = arith.cmpi ne, %sign3A_66, %sign3A_73 : i32
    %rem3A = arith.remsi %add3A_60, %jit3A : i32
    %ne3A_74 = arith.constant 0 : i32
    %ne3A_75 = arith.cmpi ne, %rem3A, %ne3A_74 : i32
    %and3A = arith.andi %ne3A, %ne3A_75 : i1
    %sub3A = arith.constant 1 : i32
    %sub3A_76 = arith.subi %div3A, %sub3A : i32
    %select_n3A = arith.select %and3A, %sub3A_76, %div3A : i32
    %jit3A_77 = arith.constant 32 : i32
    %eq3A = arith.constant 0 : i32
    %eq3A_78 = arith.cmpi eq, %jit3A_77, %eq3A : i32
    %jit3A_79 = arith.constant 1 : i32
    %select_n3A_80 = arith.select %eq3A_78, %jit3A_79, %jit3A_77 : i32
    %rem3A_81 = arith.remsi %add3A_60, %select_n3A_80 : i32
    %ne3A_82 = arith.constant 0 : i32
    %ne3A_83 = arith.cmpi ne, %rem3A_81, %ne3A_82 : i32
    %lt3A = arith.constant 0 : i32
    %lt3A_84 = arith.cmpi slt, %rem3A_81, %lt3A : i32
    %lt3A_85 = arith.constant 0 : i32
    %lt3A_86 = arith.cmpi slt, %select_n3A_80, %lt3A_85 : i32
    %ne3A_87 = arith.xori %lt3A_84, %lt3A_86 : i1
    %and3A_88 = arith.andi %ne3A_87, %ne3A_83 : i1
    %add3A_89 = arith.addi %rem3A_81, %select_n3A_80 : i32
    %select_n3A_90 = arith.select %and3A_88, %add3A_89, %rem3A_81 : i32
    %mul3A_91 = arith.constant 64 : i32
    %mul3A_92 = arith.muli %select_n3A, %mul3A_91 : i32
    %mul3A_93 = arith.constant 128 : i32
    %mul3A_94 = arith.muli %select_n3A_90, %mul3A_93 : i32
    %dma_wait3A = arith.constant 0 : i32
    %dma_wait3A_95 = arith.constant 0 : i32
    %dma_wait3A_96 = arith.constant 0 : i32
    %dma_wait3A_97 = tpu.memref_slice %arg7[%dma_wait3A, %dma_wait3A_95, %dma_wait3A_96] : memref<2x64x129xf32, #tpu.memory_space<vmem>> -> memref<1x64x128xf32, #tpu.memory_space<vmem>>
    %dma_wait3A_98 = tpu.memref_squeeze %dma_wait3A_97 : memref<1x64x128xf32, #tpu.memory_space<vmem>> -> memref<64x128xf32, #tpu.memory_space<vmem>>
    %dma_wait3A_99 = tpu.memref_slice %arg4[%mul3A_92, %mul3A_94] : memref<3200x4096xf32, #tpu.memory_space<hbm>> -> memref<64x128xf32, #tpu.memory_space<hbm>>
    %dma_wait3A_100 = tpu.memref_slice %arg4[%mul3A_92, %mul3A_94] : memref<3200x4096xf32, #tpu.memory_space<hbm>> -> memref<64x128xf32, #tpu.memory_space<hbm>>
    %dma_wait3A_101 = arith.constant 0 : i32
    %dma_wait3A_102 = arith.constant 0 : i32
    %dma_wait3A_103 = tpu.memref_slice %arg7[%dma_wait3A, %dma_wait3A_101, %dma_wait3A_102] : memref<2x64x129xf32, #tpu.memory_space<vmem>> -> memref<1x64x128xf32, #tpu.memory_space<vmem>>
    %dma_wait3A_104 = tpu.memref_squeeze %dma_wait3A_103 : memref<1x64x128xf32, #tpu.memory_space<vmem>> -> memref<64x128xf32, #tpu.memory_space<vmem>>
    tpu.wait_dma2 semaphore(%arg11 : memref<!tpu.dma_semaphore, #tpu.memory_space<semaphore_mem>>) src(%dma_wait3A_104 : memref<64x128xf32, #tpu.memory_space<vmem>>) dst(%dma_wait3A_100 : memref<64x128xf32, #tpu.memory_space<hbm>>)
    %mul3A_105 = arith.constant 50 : i32
    %mul3A_106 = arith.muli %add3A, %mul3A_105 : i32
    %add3A_107 = arith.constant 0 : i32
    %add3A_108 = arith.addi %mul3A_106, %add3A_107 : i32
    %jit3A_109 = arith.constant 32 : i32
    %div3A_110 = arith.divsi %add3A_108, %jit3A_109 : i32
    %sign3A_111 = arith.constant 0 : i32
    %sign3A_112 = arith.cmpi sgt, %add3A_108, %sign3A_111 : i32
    %sign3A_113 = arith.extui %sign3A_112 : i1 to i32
    %sign3A_114 = arith.constant 0 : i32
    %sign3A_115 = arith.cmpi slt, %add3A_108, %sign3A_114 : i32
    %sign3A_116 = arith.extui %sign3A_115 : i1 to i32
    %sign3A_117 = arith.subi %sign3A_113, %sign3A_116 : i32
    %sign3A_118 = arith.constant 0 : i32
    %sign3A_119 = arith.cmpi sgt, %jit3A_109, %sign3A_118 : i32
    %sign3A_120 = arith.extui %sign3A_119 : i1 to i32
    %sign3A_121 = arith.constant 0 : i32
    %sign3A_122 = arith.cmpi slt, %jit3A_109, %sign3A_121 : i32
    %sign3A_123 = arith.extui %sign3A_122 : i1 to i32
    %sign3A_124 = arith.subi %sign3A_120, %sign3A_123 : i32
    %ne3A_125 = arith.cmpi ne, %sign3A_117, %sign3A_124 : i32
    %rem3A_126 = arith.remsi %add3A_108, %jit3A_109 : i32
    %ne3A_127 = arith.constant 0 : i32
    %ne3A_128 = arith.cmpi ne, %rem3A_126, %ne3A_127 : i32
    %and3A_129 = arith.andi %ne3A_125, %ne3A_128 : i1
    %sub3A_130 = arith.constant 1 : i32
    %sub3A_131 = arith.subi %div3A_110, %sub3A_130 : i32
    %select_n3A_132 = arith.select %and3A_129, %sub3A_131, %div3A_110 : i32
    %jit3A_133 = arith.constant 32 : i32
    %eq3A_134 = arith.constant 0 : i32
    %eq3A_135 = arith.cmpi eq, %jit3A_133, %eq3A_134 : i32
    %jit3A_136 = arith.constant 1 : i32
    %select_n3A_137 = arith.select %eq3A_135, %jit3A_136, %jit3A_133 : i32
    %rem3A_138 = arith.remsi %add3A_108, %select_n3A_137 : i32
    %ne3A_139 = arith.constant 0 : i32
    %ne3A_140 = arith.cmpi ne, %rem3A_138, %ne3A_139 : i32
    %lt3A_141 = arith.constant 0 : i32
    %lt3A_142 = arith.cmpi slt, %rem3A_138, %lt3A_141 : i32
    %lt3A_143 = arith.constant 0 : i32
    %lt3A_144 = arith.cmpi slt, %select_n3A_137, %lt3A_143 : i32
    %ne3A_145 = arith.xori %lt3A_142, %lt3A_144 : i1
    %and3A_146 = arith.andi %ne3A_145, %ne3A_140 : i1
    %add3A_147 = arith.addi %rem3A_138, %select_n3A_137 : i32
    %select_n3A_148 = arith.select %and3A_146, %add3A_147, %rem3A_138 : i32
    %mul3A_149 = arith.constant 64 : i32
    %mul3A_150 = arith.muli %select_n3A_132, %mul3A_149 : i32
    %mul3A_151 = arith.constant 128 : i32
    %mul3A_152 = arith.muli %select_n3A_148, %mul3A_151 : i32
    %dma_wait3A_153 = arith.constant 1 : i32
    %dma_wait3A_154 = arith.constant 0 : i32
    %dma_wait3A_155 = arith.constant 0 : i32
    %dma_wait3A_156 = tpu.memref_slice %arg7[%dma_wait3A_153, %dma_wait3A_154, %dma_wait3A_155] : memref<2x64x129xf32, #tpu.memory_space<vmem>> -> memref<1x64x128xf32, #tpu.memory_space<vmem>>
    %dma_wait3A_157 = tpu.memref_squeeze %dma_wait3A_156 : memref<1x64x128xf32, #tpu.memory_space<vmem>> -> memref<64x128xf32, #tpu.memory_space<vmem>>
    %dma_wait3A_158 = tpu.memref_slice %arg4[%mul3A_150, %mul3A_152] : memref<3200x4096xf32, #tpu.memory_space<hbm>> -> memref<64x128xf32, #tpu.memory_space<hbm>>
    %dma_wait3A_159 = tpu.memref_slice %arg4[%mul3A_150, %mul3A_152] : memref<3200x4096xf32, #tpu.memory_space<hbm>> -> memref<64x128xf32, #tpu.memory_space<hbm>>
    %dma_wait3A_160 = arith.constant 0 : i32
    %dma_wait3A_161 = arith.constant 0 : i32
    %dma_wait3A_162 = tpu.memref_slice %arg7[%dma_wait3A_153, %dma_wait3A_160, %dma_wait3A_161] : memref<2x64x129xf32, #tpu.memory_space<vmem>> -> memref<1x64x128xf32, #tpu.memory_space<vmem>>
    %dma_wait3A_163 = tpu.memref_squeeze %dma_wait3A_162 : memref<1x64x128xf32, #tpu.memory_space<vmem>> -> memref<64x128xf32, #tpu.memory_space<vmem>>
    tpu.wait_dma2 semaphore(%arg12 : memref<!tpu.dma_semaphore, #tpu.memory_space<semaphore_mem>>) src(%dma_wait3A_163 : memref<64x128xf32, #tpu.memory_space<vmem>>) dst(%dma_wait3A_159 : memref<64x128xf32, #tpu.memory_space<hbm>>)
    return
  }
}

</mosaic_0001>

<sc_bundles>
// kernel: kernel.3.cloned.1.call-start
scs
__scs_entry_jumppad:
0x0: {  	(pc) =	sbr.rel $0x88, $3  }
0x1: {  	(tag) =	ssettag $0x0;
	lr =	simm.s32 $0x1  }
0x2: {  	[smem:$0x3F9F] =	sst lr;
	_ =	strace $0xD0000000  }
0x3: {  	_ = 	snop  }
0x4: {  	_ = 	snop  }
0x5: {  	_ = 	snop  }
0x6: {  	_ = 	snop  }
0x7: {  	_ = 	snop  }
__scs_overlays_trampoline_lowered:
0x8: {  	[smem:$0x3FAE] =	sst s0  }
0x9: {  	[smem:$0x3FAF] =	sst s1  }
0xa: {  	[smem:$0x3FB0] =	sst s2  }
0xb: {  	[smem:$0x3FB1] =	sst s3  }
0xc: {  	[smem:$0x3FB2] =	sst s4  }
0xd: {  	[smem:$0x3FB3] =	sst s5  }
0xe: {  	[smem:$0x3FB4] =	sst s6  }
0xf: {  	[smem:$0x3FB5] =	sst s7  }
0x10: {  	[smem:$0x3FB6] =	sst s8  }
0x11: {  	[smem:$0x3FB7] =	sst s9;
	s0 =	simm.s32 @!p0 $0x0  }
0x12: {  	s1 =	sld [smem:$0x3F9D];
	s0 =	simm.s32 @p0 $0x1  }
0x13: {  	[smem:$0x3FB8] =	sst s0;
	s0 =	simm.s32 @!p1 $0x0  }
0x14: {  	s2 =	sld [smem:$0x3F9C];
	s0 =	simm.s32 @p1 $0x1  }
0x15: {  	[smem:$0x3FB9] =	sst s0;
	s0 =	simm.s32 @!p2 $0x0  }
0x16: {  	s3 =	sld [smem:$0x3FDB];
	s0 =	simm.s32 @p2 $0x1  }
0x17: {  	s4 =	simm.s32 $0x1BF5;
	[smem:$0x3FBB] =	sst s0  }
0x18: {  	s0 =	sld [smem:$0x3F9E];
	_ =	swait.ge [sflag:s4], $0x0  }
0x19: {  	s7 =	sld [smem:$0x3F9F]  }
0x1a: {  	s8 =	sadd.s32 $0xFFFFE003, lr  }
0x1b: {  	s9 =	sadd.s32 $0xFFFFFEF7, lr;
	s5 =	simm.s32 $0xFFFFFFFF;
	p2 =	slt.u32 s8, $0xFFFFF086  }
0x1c: {  	p1 =	slt.u32 s9, $0xF7A;
	s5 =	simm.s32 @!p2 $0x0  }
0x1d: {  	s5 =	simm.s32 @p1 $0x1;
	p0 =	seq.s32 s7, s2  }
0x1e: {  	s7 =	smul.u32 @!p0 $0xF7A, s2;
	p2 =	seq.s32 @!p0 s5, $0x0  }
0x1f: {  	s9 =	smul.u32 $0xF7A, s1;
	s8 =	simm.s32 @!p0 $0x1BF5;
	p2 =	por !p2, p0  }
0x20: {  	[sflag:s8] =	ssyncset.s32 @!p0 $0xFFFFF086;
	s6 =	sadd.s32 @!p0 s3, s7;
	s7 =	simm.s32 @!p0 $0x108  }
0x21: {  	s3 =	sadd.s32 s3, s9;
	s6 =	sadd.s32 @!p0 $0x88, s6;
	s7 =	simm.s32 @p2 $0x1082  }
0x22: {  	[simem:s7], [sflag:s8] =	dma.local @!p0 [hbm:s6], $0xF7A  }
0x23: {  	s9 =	sor.u32 $0xD0000000, s2;
	s6 =	simm.s32 $0x108;
	_ =	swait.ge @!p0 [sflag:s8], $0x0  }
0x24: {  	s3 =	sadd.s32 $0x88, s3;
	s6 =	simm.s32 @!p1 $0x1082;
	[sflag:s4] =	ssyncset.s32 $0xFFFFF086  }
0x25: {  	[simem:s6], [sflag:s4] =	dma.local [hbm:s3], $0xF7A  }
0x26: {  	[smem:$0x3F9F] =	sst s1;
	(tag) =	ssettag s2;
	_ =	strace s9  }
0x27: {  	s1 =	sld [smem:$0x3FAF]  }
0x28: {  	s2 =	sld [smem:$0x3FB0]  }
0x29: {  	s4 =	sld [smem:$0x3FB2]  }
0x2a: {  	p0 =	seq.s32 s5, $0x0;
	s5 =	sld [smem:$0x3FB3]  }
0x2b: {  	s6 =	sld [smem:$0x3FB4]  }
0x2c: {  	s7 =	sld [smem:$0x3FB5]  }
0x2d: {  	s3 =	simm.s32 $0x108;
	s8 =	sld [smem:$0x3FB6]  }
0x2e: {  	s3 =	simm.s32 @!p0 $0x1082;
	s9 =	sld [smem:$0x3FB7]  }
0x2f: {  	lr =	sadd.s32 s0, s3;
	s0 =	sld [smem:$0x3FAE]  }
0x30: {  	s3 =	sld [smem:$0x3FB1]  }
0x31: {  	[smem:$0x3FBA] =	sst s10  }
0x32: {  	s10 =	sld [smem:$0x3FB8];
	_ =	sdelay $0x3  }
0x33: {  	p0 =	seq.s32 s10, $0x1;
	s10 =	sld [smem:$0x3FBA];
	_ =	sdelay $0x3  }
0x34: {  	[smem:$0x3FBA] =	sst s10  }
0x35: {  	s10 =	sld [smem:$0x3FB9];
	_ =	sdelay $0x3  }
0x36: {  	p1 =	seq.s32 s10, $0x1;
	s10 =	sld [smem:$0x3FBA];
	_ =	sdelay $0x3  }
0x37: {  	[smem:$0x3FBA] =	sst s10  }
0x38: {  	s10 =	sld [smem:$0x3FBB]  }
0x39: {  	_ = 	snop;
	(pc) =	sbr.ind lr, $3  }
0x3a: {  	_ = 	snop  }
0x3b: {  	_ = 	snop  }
0x3c: {  	p2 =	seq.s32 s10, $0x1;
	s10 =	sld [smem:$0x3FBA]  }
0x3d: {  	_ =	shalt  }
0x3e: {  	_ =	shalt  }
0x3f: {  	_ =	shalt  }
0x40: {  	_ =	shalt  }
0x41: {  	_ =	shalt  }
0x42: {  	_ =	shalt  }
0x43: {  	_ =	shalt  }
0x44: {  	_ =	shalt  }
0x45: {  	_ =	shalt  }
0x46: {  	_ =	shalt  }
0x47: {  	_ =	shalt  }
0x48: {  	_ =	shalt  }
0x49: {  	_ =	shalt  }
0x4a: {  	_ =	shalt  }
0x4b: {  	_ =	shalt  }
0x4c: {  	_ =	shalt  }
0x4d: {  	_ =	shalt  }
0x4e: {  	_ =	shalt  }
0x4f: {  	_ =	shalt  }
0x50: {  	_ =	shalt  }
0x51: {  	_ =	shalt  }
0x52: {  	_ =	shalt  }
0x53: {  	_ =	shalt  }
0x54: {  	_ =	shalt  }
0x55: {  	_ =	shalt  }
0x56: {  	_ =	shalt  }
0x57: {  	_ =	shalt  }
0x58: {  	_ =	shalt  }
0x59: {  	_ =	shalt  }
0x5a: {  	_ =	shalt  }
0x5b: {  	_ =	shalt  }
0x5c: {  	_ =	shalt  }
0x5d: {  	_ =	shalt  }
0x5e: {  	_ =	shalt  }
0x5f: {  	_ =	shalt  }
0x60: {  	_ =	shalt  }
0x61: {  	_ =	shalt  }
0x62: {  	_ =	shalt  }
0x63: {  	_ =	shalt  }
0x64: {  	_ =	shalt  }
0x65: {  	_ =	shalt  }
0x66: {  	_ =	shalt  }
0x67: {  	_ =	shalt  }
0x68: {  	_ =	shalt  }
0x69: {  	_ =	shalt  }
0x6a: {  	_ =	shalt  }
0x6b: {  	_ =	shalt  }
0x6c: {  	_ =	shalt  }
0x6d: {  	_ =	shalt  }
0x6e: {  	_ =	shalt  }
0x6f: {  	_ =	shalt  }
0x70: {  	_ =	shalt  }
0x71: {  	_ =	shalt  }
0x72: {  	_ =	shalt  }
0x73: {  	_ =	shalt  }
0x74: {  	_ =	shalt  }
0x75: {  	_ =	shalt  }
0x76: {  	_ =	shalt  }
0x77: {  	_ =	shalt  }
0x78: {  	_ =	shalt  }
0x79: {  	_ =	shalt  }
0x7a: {  	_ =	shalt  }
0x7b: {  	_ =	shalt  }
0x7c: {  	_ =	shalt  }
0x7d: {  	_ =	shalt  }
0x7e: {  	_ =	shalt  }
0x7f: {  	_ =	shalt  }
0x80: {  	_ =	shalt  }
0x81: {  	_ =	shalt  }
0x82: {  	_ =	shalt  }
0x83: {  	_ =	shalt  }
0x84: {  	_ =	shalt  }
0x85: {  	_ =	shalt  }
0x86: {  	_ =	shalt  }
0x87: {  	_ =	shalt  }
.Lfunc_end0:
.L_simem_size_0:
called_computation_lowered:
.L_overlay_start_0:
0x88: {  	s2 =	sld [smem:$0x3FD9]  }
0x89: {  	s3 =	sld [smem:$0x3FFE];
	_ =	sdelay $0x1  }
0x8a: {  	s1 =	srdreg.scid  }
0x8b: {  	s0 =	sand.u32 $0x1, s1  }
0x8c: {  	s16 =	sshll.u32 s0, $0xA;
	s2 =	sadd.s32 s3, s2  }
0x8d: {  	s2 =	sadd.s32 s2, s16  }
0x8e: {  	[smem:$0x3FC6] =	sst s2  }
0x8f: {  	_ = 	snop  }
0x90: {  	(tm) =	ssettm $0x1  }
0x91: {  	s17 =	sld [smem:$0x3FFB];
	_ =	sdelay $0x3  }
0x92: {  	_ =	strace s17  }
0x93: {  	s2 =	sld [smem:$0x3FFC];
	_ =	sdelay $0x3  }
0x94: {  	_ =	strace s2  }
0x95: {  	s2 =	sld [smem:$0x3FFD];
	_ =	sdelay $0x3  }
0x96: {  	_ =	strace s2  }
0x97: {  	_ =	strace $0x8FFFFFFF  }
0x98: {  	s18 =	sld [smem:$0x3FDB];
	_ =	sdelay $0x1  }
0x99: {  	s19 =	simm.s32 $_scs_section_size  }
0x9a: {  	s4 =	simm.s32 $_size__tile_overlayer_lowered;
	s5 =	simm.s32 $_tile_overlayer_lowered  }
0x9b: {  	s22 =	simm.s32 $0x1BFF;
	s21 =	sshll.u32 s5, $0x1;
	s2 =	sadd.s32 s19, s18  }
0x9c: {  	s6 =	simm.s32 $0x0;
	s20 =	sshll.u32 s4, $0x1;
	s4 =	sadd.s32 s21, s2  }
0x9d: {  	[timem:s6], [sflag:s22] =	dma.local [hbm:s4], s20  }
0x9e: {  	_ =	swait.ge [sflag:s22], s20  }
0x9f: {  	s3 =	ssub.s32 $0x0, s20;
	[sflag:s22] =	ssyncset.done $0x0  }
0xa0: {  	[sflag:s22] =	ssyncadd.s32 s3;
	_ =	sdelay $0x1  }
0xa1: {  	s23 =	simm.s32 $0x1B8B  }
0xa2: {  	_ =	swait.ge [sflag:s23], $0x1  }
0xa3: {  	[sflag:s23] =	ssyncset.done $0x0  }
0xa4: {  	s25 =	simm.s32 $0x1B8E;
	s24 =	sld [smem:$0x3FFE];
	[sflag:s23] =	ssyncadd.s32 $0xFFFFFFFF  }
0xa5: {  	s26 =	simm.s32 $execute0_lowered;
	[smem:$0x3FD2] =	sst s25  }
0xa6: {  	s4 =	sshll.u32 s26, $0x1;
	_ =	strace $0x80000046;
	[dreg:$0x1] =	wrdreg $0xFFFFFFFF  }
0xa7: {  	s28 =	simm.s32 $_size_execute0_lowered;
	s2 =	sadd.s32 s2, s4;
	[dreg:$0x0] =	wrdreg $0x0  }
0xa8: {  	s4 =	sshll.u32 s28, $0x1;
	[dreg:$0x2] =	wrdreg s2  }
0xa9: {  	[dreg:$0x3] =	wrdreg s4  }
0xaa: {  	[dreg:$0x4] =	wrdreg $0xC0  }
0xab: {  	_ =	task [dreg:s6], $0x5FFFF  }
0xac: {  	[dreg:$0x1] =	wrdreg $0xFFFFFFFF  }
0xad: {  	[dreg:$0x0] =	wrdreg $0x60  }
0xae: {  	[dreg:$0x2] =	wrdreg s24  }
0xaf: {  	[dreg:$0x3] =	wrdreg $0x9  }
0xb0: {  	_ =	task.clear_ibuf [dreg:s6], $0x4FFFF;
	_ =	strace $0x90000046  }
0xb1: {  	s29 =	simm.s32 $0x9;
	_ =	strace $0x80000048  }
0xb2: {  	_ =	swait.ge [sflag:s29], $0x1  }
0xb3: {  	[sflag:s29] =	ssyncadd.s32 $0xFFFFFFFF  }
0xb4: {  	_ =	strace $0x90000048  }
0xb5: {  	_ =	sfence  }
0xb6: {  	s30 =	sld [smem:$0x0];
	_ =	sdelay $0x2  }
0xb7: {  	s31 =	sshll.u32 s1, $0xD;
	s1 =	sshrl.u32 s1, $0x2  }
0xb8: {  	s3 =	sand.u32 $0x4000, s31;
	s1 =	sadd.s32 s1, s30  }
0xb9: {  	s0 =	sor.u32 s3, s0;
	s1 =	sshll.u32 s1, $0x11  }
0xba: {  	s0 =	sor.u32 s1, s0  }
0xbb: {  	s0 =	sadd.s32 $0x8F2B, s0  }
0xbc: {  	[sflag:s0] =	ssyncadd.remote.s32 $0x1  }
0xbd: {  	_ =	sfence.sel $0xFFFF  }
0xbe: {  	[dreg:$0x0] =	wrdreg $0xFFFFFFFF;
	(pc) =	sbr.abs _section_cstart, $3  }
0xbf: {  	[dreg:$0x1] =	wrdreg $0xFFFFFFFF  }
0xc0: {  	_ =	task.clear_ibuf [dreg:s6], $0x2FFFF;
	_ =	strace $0x9FFFFFFF  }
0xc1: {  	(tm) =	ssettm $0x7FFFFFFF  }
tec
execute0_lowered:
.L_overlay_start_1:
0x0: {  	(tag) =	ssettag $0x1  }
0x1: {  	v0 =	vlaneseq.u32  }
0x2: {  	v0 =	vmul.u32 $0x88, v0  }
0x3: {  	s1 =	srdreg.scid;
	v1 =	vimm.s32 $0x0;
	vm0 =	vcmask $0x300  }
0x4: {  	s0 =	stileid.u32;
	v2 =	vimm.s32 $0x1;
	s4 =	rddreg [dreg:$0x0];
	v3 =	vsel vm0, $0x3, v1;
	v4 =	vadd.s32 $0x880, v0  }
0x5: {  	s2 =	simm.s32 $0x0;
	s9 =	simm.s32 $0x1910;
	s10 =	simm.s32 $0x3910;
	v5 =	vadd.s32 $0x1100, v0;
	v6 =	vadd.s32 $0x1980, v0;
	v7 =	vor.u32 $0x1, v0  }
0x6: {  	s11 =	simm.s32 $0x1;
	s12 =	simm.s32 $0x9D10;
	s13 =	simm.s32 $0x5910;
	v8 =	vadd.s32 $0x881, v0;
	v9 =	vadd.s32 $0x1101, v0;
	v10 =	vadd.s32 $0x1981, v0  }
0x7: {  	s14 =	simm.s32 $0x2;
	s15 =	simm.s32 $0x7B10;
	s16 =	simm.s32 $0x3;
	v11 =	vor.u32 $0x2, v0;
	v12 =	vadd.s32 $0x882, v0;
	v13 =	vadd.s32 $0x1102, v0  }
0x8: {  	s17 =	simm.s32 $0x4;
	s18 =	simm.s32 $0x80;
	s19 =	simm.s32 $0x0;
	v14 =	vadd.s32 $0x1982, v0;
	v15 =	vor.u32 $0x3, v0;
	v16 =	vadd.s32 $0x883, v0  }
0x9: {  	s3 =	sand.u32 $0x1, s1;
	s31 =	sshll.u32 s0, $0x1;
	s1 =	rddreg [dreg:$0x1];
	v17 =	vadd.s32 $0x1103, v0;
	v18 =	vadd.s32 $0x1983, v0;
	v19 =	vor.u32 $0x4, v0  }
.Ltmp0:
0xa: {  	[smem:$0x7FF] =	sst s2;
	s6 =	sor.u32 s3, s31;
	v20 =	vadd.s32 $0x884, v0;
	v21 =	vadd.s32 $0x1104, v0;
	v22 =	vadd.s32 $0x1984, v0;
	(pc) =	sbr.rel .LBB2_1-.Ltmp0, $4  }
0xb: {  	s7 =	ssub.s32 $0x2, s3;
	_ =	strace $0x80000047;
	s5 =	smul.u32 $0x320, s6;
	v23 =	vor.u32 $0x5, v0;
	v24 =	vadd.s32 $0x885, v0;
	v25 =	vadd.s32 $0x1105, v0  }
0xc: {  	s3 =	sadd.s32 $0x6800, s4;
	s8 =	sshrl.u32 s7, $0x1;
	s6 =	smul.u32 $0x32, s6;
	v26 =	vadd.s32 $0x1985, v0;
	v27 =	vor.u32 $0x6, v0;
	v28 =	vadd.s32 $0x886, v0  }
0xd: {  	v29 =	vadd.s32 $0x1106, v0;
	v30 =	vadd.s32 $0x1986, v0;
	v31 =	vor.u32 $0x7, v0;
	s7 =	ssub.s32 s7, s8;
	s8 =	simm.s32 $0x5;
	s5 =	sadd.s32 s5, s4  }
0xe: {  	v32 =	vadd.s32 $0x887, v0;
	v33 =	vadd.s32 $0x1107, v0;
	v34 =	vadd.s32 $0x1987, v0;
	s4 =	sadd.s32 $0xC9E00, s4;
	s7 =	smax.u32 s7, $0x1;
	s5 =	sadd.s32 $0x400, s5  }
.LBB2_20:
0xf: {  	s19 =	sadd.s32 $0x1, s19  }
0x10: {  	_ =	swait.ge [sflag:s16], $0x2000;
	p0 =	sne.s32 s19, s7  }
.Ltmp1:
0x11: {  	[sflag:s16] =	ssyncset.done $0x0;
	(pc) =	sbr.rel @!p0 .LBB2_21-.Ltmp1, $4  }
0x12: {  	[sflag:s16] =	ssyncadd.s32 $0xFFFFE000  }
0x13: {  	_ =	swait.ge [sflag:s17], $0x2000  }
0x14: {  	[sflag:s17] =	ssyncset.done $0x0  }
0x15: {  	[sflag:s17] =	ssyncadd.s32 $0xFFFFE000  }
.LBB2_1:
0x16: {  	[tilespmem:s2], [sflag:$0x5] =	stream.linear.gather [hbm4b:s5+s2], $0x1900, $0x38;
	[tilespmem:$0x9D20] =	vst v63  }
0x17: {  	_ =	swait.ge [sflag:s8], $0x1900  }
0x18: {  	[sflag:s8] =	ssyncset.done $0x0  }
0x19: {  	[sflag:s8] =	ssyncadd.s32 $0xFFFFE700  }
0x1a: {  	[tilespmem:s9], [sflag:$0x1] =	stream.indirect.gather [hbm4b:s3+s18], $0x40, s2, s18, $0xb8;
	[tilespmem:$0x9D20] =	vst v63  }
0x1b: {  	s20 =	simm.s32 $0x80;
	s21 =	simm.s32 $0x0;
	s22 =	simm.s32 $0x0  }
0x1c: {  	[tilespmem:s10], [sflag:$0x2] =	stream.indirect.gather [hbm4b:s3+s18], $0x40, s18, s18, $0xb8;
	[tilespmem:$0x9D20] =	vst v63  }
.LBB2_2:
0x1d: {  	_ =	swait.ge [sflag:s11], $0x2000  }
0x1e: {  	s23 =	sshll.u32 s22, $0x8;
	[sflag:s11] =	ssyncset.done $0x0  }
0x1f: {  	s23 =	sand.u32 $0x3FFFFF00, s23;
	[sflag:s11] =	ssyncadd.s32 $0xFFFFE000  }
0x20: {  	v35 =	vld [tilespmem:s23+$0x0]  }
0x21: {  	v36 =	vld [tilespmem:s23+$0x10]  }
0x22: {  	v37 =	vld [tilespmem:s23+$0x20]  }
0x23: {  	v38 =	vld [tilespmem:s23+$0x30]  }
0x24: {  	v39 =	vld [tilespmem:s23+$0x40]  }
0x25: {  	v40 =	vld [tilespmem:s23+$0x50]  }
0x26: {  	v61 =	vld [tilespmem:s23+$0x60];
	vm0 =	veq.s32 v35, $0x0;
	vm1 =	veq.s32 v36, $0x0  }
0x27: {  	v62 =	vld [tilespmem:s23+$0x70];
	vm10 =	veq.s32 v37, $0x0;
	vm0 =	vmor vm0, vm1  }
0x28: {  	vm11 =	veq.s32 v38, $0x0;
	vm0 =	vmor vm0, vm10  }
0x29: {  	vm12 =	veq.s32 v39, $0x0;
	vm0 =	vmor vm0, vm11  }
0x2a: {  	vm13 =	veq.s32 v40, $0x0;
	vm0 =	vmor vm0, vm12  }
0x2b: {  	vm14 =	veq.s32 v61, $0x0;
	vm0 =	vmor vm0, vm13  }
0x2c: {  	vm15 =	veq.s32 v62, $0x0;
	vm0 =	vmor vm0, vm14  }
0x2d: {  	vm0 =	vmor vm0, vm15;
	_ =	sdelay $0x4  }
0x2e: {  	[tilespmem:$0x9D10] =	vst v1  }
0x2f: {  	[tilespmem:v1+s12+$0x0] =	vst.idx.msk vm0, v2  }
0x30: {  	v63 =	vld [tilespmem:$0x9D10];
	_ =	sdelay $0x4  }
0x31: {  	(v2sf) =	vpush v63, $0x0;
	_ =	sdelay $0xe  }
0x32: {  	s24 =	spop (v2sf)  }
0x33: {  	p0 =	slt.s32 s24, $0x1  }
.Ltmp2:
0x34: {  	_ = 	snop;
	(pc) =	sbr.rel @p0 .LBB2_6-.Ltmp2, $2  }
0x35: {  	_ =	sdelay $0x2  }
0x36: {  	s24 =	simm.s32 $0x0  }
0x37: {  	v35 =	vld [tilespmem:s21+$0x0];
	_ =	sdelay $0x4  }
0x38: {  	(v2sf) =	vpush v35, $0x0;
	_ =	sdelay $0xe  }
0x39: {  	s25 =	spop (v2sf)  }
0x3a: {  	p1 =	sne.s32 s25, $0x0  }
0x3b: {  	s26 =	simm.s32 @!p1 $0x0;
	v36 =	vlaneseq.u32 @!p1  }
0x3c: {  	v37 =	vor.u32 @!p1 s26, v36;
	v35 =	vor.u32 @!p1 $0x10, v36  }
0x3d: {  	v38 =	vor.u32 @!p1 $0x20, v36;
	v39 =	vor.u32 @!p1 s26, v35  }
0x3e: {  	v36 =	vor.u32 @!p1 $0x30, v36;
	v38 =	vor.u32 @!p1 s26, v38  }
0x3f: {  	v36 =	vor.u32 @!p1 s26, v36  }
0x40: {  	s28 =	simm.s32 @!p1 $0x1910;
	v35 =	vimm.f32 @!p1 $0.0e+00  }
0x41: {  	[tilespmem:v37+s28+$0x0] =	vst.idx.msk @!p1 $0xffff, v35  }
0x42: {  	[tilespmem:v39+s28+$0x0] =	vst.idx.msk @!p1 $0xffff, v35  }
0x43: {  	s25 =	simm.s32 $0x1;
	s26 =	smov.u32 s21;
	[tilespmem:v38+s28+$0x0] =	vst.idx.msk @!p1 $0xffff, v35  }
.LBB2_4:
0x44: {  	[tilespmem:v36+s28+$0x0] =	vst.idx.msk @!p1 $0xffff, v35;
	s26 =	sadd.s32 $0x1, s26;
	s28 =	smov.u32 s25;
	s25 =	sadd.s32 $0x1, s25  }
0x45: {  	v35 =	vld [tilespmem:s26+$0x0];
	p0 =	sne.s32 s25, $0x80;
	_ =	sdelay $0x4  }
0x46: {  	(v2sf) =	vpush v35, $0x0;
	_ =	sdelay $0xe  }
0x47: {  	s29 =	spop (v2sf)  }
0x48: {  	p1 =	sne.s32 s29, $0x0  }
0x49: {  	s28 =	sshll.u32 @!p1 s28, $0x6;
	v35 =	vlaneseq.u32 @!p1  }
0x4a: {  	v37 =	vor.u32 @!p1 s28, v35;
	v36 =	vor.u32 @!p1 $0x10, v35;
	v38 =	vor.u32 @!p1 $0x20, v35  }
0x4b: {  	v35 =	vor.u32 @!p1 $0x30, v35;
	v39 =	vor.u32 @!p1 s28, v36;
	v38 =	vor.u32 @!p1 s28, v38  }
0x4c: {  	v36 =	vor.u32 @!p1 s28, v35  }
.Ltmp3:
0x4d: {  	(pc) =	sbr.rel @p0 .LBB2_4-.Ltmp3, $4  }
0x4e: {  	v35 =	vimm.f32 @!p1 $0.0e+00;
	s28 =	simm.s32 @!p1 $0x1910  }
0x4f: {  	[tilespmem:v37+s28+$0x0] =	vst.idx.msk @!p1 $0xffff, v35  }
0x50: {  	[tilespmem:v39+s28+$0x0] =	vst.idx.msk @!p1 $0xffff, v35  }
0x51: {  	[tilespmem:v38+s28+$0x0] =	vst.idx.msk @!p1 $0xffff, v35  }
0x52: {  	_ =	sdelay $0x3  }
0x53: {  	[tilespmem:v36+s28+$0x0] =	vst.idx.msk @!p1 $0xffff, v35  }
.LBB2_6:
0x54: {  	v35 =	vmov s24;
	s30 =	simm.s32 $0x1  }
0x55: {  	s25 =	simm.s32 $0x2;
	s31 =	simm.s32 $0x3;
	s29 =	simm.s32 $0x4;
	v35 =	vshrl.u32 v35, $0x3;
	v36 =	vmov s30  }
0x56: {  	s26 =	simm.s32 $0x7;
	v37 =	vmov s25;
	v38 =	vmov s31;
	s30 =	simm.s32 $0x5;
	v39 =	vmov s29  }
0x57: {  	p0 =	seq.s32 s22, $0x0;
	v40 =	vmov s26;
	s31 =	simm.s32 $0x6;
	v41 =	vmov s30;
	v35 =	vshll.u32 v35, v3  }
0x58: {  	s25 =	simm.s32 @!p0 $0x3;
	v40 =	vshrl.u32 v40, $0x3;
	v42 =	vmov s31;
	v36 =	vshrl.u32 v36, $0x3  }
0x59: {  	_ =	swait.ge @!p0 [sflag:s25], $0x2000;
	v37 =	vshrl.u32 v37, $0x3;
	v38 =	vshrl.u32 v38, $0x3;
	v39 =	vshrl.u32 v39, $0x3  }
0x5a: {  	v40 =	vshll.u32 v40, v3;
	[sflag:s25] =	ssyncset.done @!p0 $0x0;
	v35 =	vbroadcast v35, $0x0;
	v36 =	vshll.u32 v36, v3  }
0x5b: {  	v59 =	vshll.u32 v37, v3;
	v60 =	vshll.u32 v38, v3;
	v40 =	vbroadcast v40, $0x0;
	[sflag:s25] =	ssyncadd.s32 @!p0 $0xFFFFE000;
	s25 =	simm.s32 $0x1A10  }
0x5c: {  	v61 =	vshll.u32 v39, v3;
	v49 =	vbroadcast v36, $0x0;
	v45 =	vld [tilespmem:s25+$0xFFFFFF00];
	v46 =	vadd.s32 v0, v35  }
0x5d: {  	v62 =	vshrl.u32 v41, $0x3;
	v55 =	vbroadcast v59, $0x0;
	v43 =	vld [tilespmem:s25+$0xC0];
	v44 =	vadd.s32 v31, v40  }
0x5e: {  	v42 =	vshrl.u32 v42, $0x3;
	v37 =	vbroadcast v60, $0x0;
	v47 =	vld [tilespmem:s25+$0xFFFFFF40];
	v48 =	vadd.s32 v7, v49  }
0x5f: {  	v36 =	vbroadcast v61, $0x0;
	v38 =	vshll.u32 v62, v3;
	v50 =	vld [tilespmem:s25+$0xFFFFFF80];
	v51 =	vadd.s32 v11, v55  }
0x60: {  	v57 =	vshll.u32 v42, v3;
	v63 =	vld [tilespmem:s25+$0xFFFFFFC0];
	v39 =	vbroadcast v38, $0x0;
	v52 =	vadd.s32 v15, v37  }
0x61: {  	v53 =	vld [tilespmem:s25+$0x0];
	v38 =	vbroadcast v57, $0x0;
	v54 =	vadd.s32 v19, v36;
	[tilespmem:v46+s13+$0x0] =	vst.idx.msk $0xffff, v45  }
0x62: {  	v59 =	vld [tilespmem:s25+$0x40];
	v60 =	vadd.s32 v23, v39;
	[tilespmem:v44+s13+$0x0] =	vst.idx.msk $0xffff, v43  }
0x63: {  	v61 =	vadd.s32 v27, v38;
	v46 =	vld [tilespmem:s25+$0x80];
	[tilespmem:v48+s13+$0x0] =	vst.idx.msk $0xffff, v47  }
0x64: {  	v58 =	vadd.s32 v32, v40;
	[tilespmem:v51+s13+$0x0] =	vst.idx.msk $0xffff, v50;
	v42 =	vld [tilespmem:s25+$0xD0]  }
0x65: {  	[tilespmem:v52+s13+$0x0] =	vst.idx.msk $0xffff, v63;
	v50 =	vld [tilespmem:s25+$0xFFFFFF10];
	v51 =	vadd.s32 v4, v35  }
0x66: {  	v62 =	vadd.s32 v8, v49;
	[tilespmem:v54+s13+$0x0] =	vst.idx.msk $0xffff, v53;
	v48 =	vld [tilespmem:s25+$0xFFFFFF50]  }
0x67: {  	v56 =	vadd.s32 v12, v55;
	v63 =	vld [tilespmem:s25+$0xFFFFFF90];
	[tilespmem:v60+s13+$0x0] =	vst.idx.msk $0xffff, v59  }
0x68: {  	v57 =	vadd.s32 v16, v37;
	v52 =	vld [tilespmem:s25+$0xFFFFFFD0];
	[tilespmem:v61+s13+$0x0] =	vst.idx.msk $0xffff, v46  }
0x69: {  	v59 =	vld [tilespmem:s25+$0x10];
	v60 =	vadd.s32 v20, v36;
	[tilespmem:v58+s13+$0x0] =	vst.idx.msk $0xffff, v42  }
0x6a: {  	[tilespmem:v51+s13+$0x0] =	vst.idx.msk $0xffff, v50;
	v58 =	vadd.s32 v33, v40;
	v42 =	vld [tilespmem:s25+$0xE0]  }
0x6b: {  	v61 =	vld [tilespmem:s25+$0x50];
	[tilespmem:v62+s13+$0x0] =	vst.idx.msk $0xffff, v48;
	v62 =	vadd.s32 v24, v39  }
0x6c: {  	v41 =	vld [tilespmem:s25+$0x90];
	[tilespmem:v56+s13+$0x0] =	vst.idx.msk $0xffff, v63;
	v48 =	vadd.s32 v28, v38  }
0x6d: {  	v53 =	vadd.s32 v9, v49;
	[tilespmem:v57+s13+$0x0] =	vst.idx.msk $0xffff, v52;
	v52 =	vld [tilespmem:s25+$0xFFFFFF60]  }
0x6e: {  	[tilespmem:v60+s13+$0x0] =	vst.idx.msk $0xffff, v59;
	v60 =	vadd.s32 v17, v37;
	v59 =	vld [tilespmem:s25+$0xFFFFFFE0]  }
0x6f: {  	v57 =	vld [tilespmem:s25+$0xFFFFFFA0];
	[tilespmem:v58+s13+$0x0] =	vst.idx.msk $0xffff, v42;
	v58 =	vadd.s32 v13, v55  }
0x70: {  	v40 =	vadd.s32 v34, v40;
	[tilespmem:v62+s13+$0x0] =	vst.idx.msk $0xffff, v61;
	v56 =	vld [tilespmem:s25+$0xF0]  }
0x71: {  	s29 =	simm.s32 $0x9;
	[tilespmem:v48+s13+$0x0] =	vst.idx.msk $0xffff, v41;
	v61 =	vld [tilespmem:s25+$0x20];
	v62 =	vadd.s32 v21, v36  }
0x72: {  	s26 =	simm.s32 $0x8;
	s31 =	simm.s32 $0xB;
	v43 =	vadd.s32 v25, v39;
	v54 =	vmov s29;
	[tilespmem:v53+s13+$0x0] =	vst.idx.msk $0xffff, v52;
	v42 =	vld [tilespmem:s25+$0x60]  }
0x73: {  	v45 =	vadd.s32 v29, v38;
	s29 =	simm.s32 $0xC;
	v46 =	vmov s31;
	v63 =	vmov s26;
	v44 =	vld [tilespmem:s25+$0xA0];
	[tilespmem:v60+s13+$0x0] =	vst.idx.msk $0xffff, v59  }
0x74: {  	s30 =	simm.s32 $0xA;
	v50 =	vadd.s32 v5, v35;
	v47 =	vld [tilespmem:s25+$0xFFFFFF20];
	v41 =	vshrl.u32 v63, $0x3;
	v48 =	vmov s29;
	[tilespmem:v58+s13+$0x0] =	vst.idx.msk $0xffff, v57  }
0x75: {  	s31 =	simm.s32 $0xE;
	v53 =	vadd.s32 v10, v49;
	v49 =	vshll.u32 v41, v3;
	v51 =	vld [tilespmem:s25+$0xFFFFFF70];
	[tilespmem:v40+s13+$0x0] =	vst.idx.msk $0xffff, v56;
	v56 =	vmov s30;
	s30 =	simm.s32 $0xD  }
0x76: {  	s24 =	sshll.u32 s22, $0x1;
	s28 =	simm.s32 $0xF;
	s26 =	simm.s32 $0x10;
	v41 =	vmov s31;
	v55 =	vadd.s32 v14, v55;
	[tilespmem:v62+s13+$0x0] =	vst.idx.msk $0xffff, v61;
	v52 =	vld [tilespmem:s25+$0xFFFFFFB0];
	v40 =	vmov s30  }
.LBB2_7:
0x77: {  	p1 =	slt.u32 s26, $0x78;
	v54 =	vshrl.u32 v54, $0x3;
	v57 =	vmov s28;
	v58 =	vld [tilespmem:s25+$0xFFFFFFF0];
	v37 =	vadd.s32 v18, v37;
	[tilespmem:v43+s13+$0x0] =	vst.idx.msk $0xffff, v42  }
0x78: {  	v42 =	vshrl.u32 v56, $0x3;
	v36 =	vadd.s32 v22, v36;
	v43 =	vshrl.u32 v57, $0x3;
	v56 =	vld [tilespmem:s25+$0x30];
	[tilespmem:v45+s13+$0x0] =	vst.idx.msk $0xffff, v44  }
0x79: {  	v39 =	vadd.s32 v26, v39;
	v44 =	vshrl.u32 v46, $0x3;
	v43 =	vshll.u32 v43, v3;
	[tilespmem:v50+s13+$0x0] =	vst.idx.msk $0xffff, v47;
	v45 =	vld [tilespmem:s25+$0x70]  }
0x7a: {  	v38 =	vadd.s32 v30, v38;
	v46 =	vshrl.u32 v48, $0x3;
	v43 =	vbroadcast v43, $0x0;
	[tilespmem:v53+s13+$0x0] =	vst.idx.msk $0xffff, v51;
	v47 =	vld [tilespmem:s25+$0xB0]  }
0x7b: {  	v48 =	vshll.u32 v54, v3;
	v51 =	vadd.s32 v6, v35;
	v35 =	vbroadcast v49, $0x0;
	v50 =	vld [tilespmem:s25+$0xFFFFFF30];
	[tilespmem:v55+s13+$0x0] =	vst.idx.msk $0xffff, v52;
	s25 =	sadd.s32 $0x200, s25  }
0x7c: {  	v42 =	vshll.u32 v42, v3;
	v49 =	vbroadcast v48, $0x0;
	v48 =	vld [tilespmem:s25+$0xC0];
	v52 =	vadd.s32 v31, v43;
	[tilespmem:v37+s13+$0x0] =	vst.idx.msk $0xffff, v58  }
0x7d: {  	v55 =	vbroadcast v42, $0x0;
	v54 =	vadd.s32 v0, v35;
	v37 =	vshll.u32 v44, v3;
	v53 =	vld [tilespmem:s25+$0xFFFFFF00];
	[tilespmem:v36+s13+$0x0] =	vst.idx.msk $0xffff, v56  }
0x7e: {  	v44 =	vadd.s32 v7, v49;
	v37 =	vbroadcast v37, $0x0;
	v36 =	vshll.u32 v46, v3;
	v42 =	vld [tilespmem:s25+$0xFFFFFF40];
	[tilespmem:v39+s13+$0x0] =	vst.idx.msk $0xffff, v45  }
0x7f: {  	v46 =	vadd.s32 v11, v55;
	v36 =	vbroadcast v36, $0x0;
	v39 =	vshrl.u32 v40, $0x3;
	v45 =	vld [tilespmem:s25+$0xFFFFFF80];
	[tilespmem:v38+s13+$0x0] =	vst.idx.msk $0xffff, v47  }
0x80: {  	v41 =	vshrl.u32 v41, $0x3;
	v47 =	vadd.s32 v15, v37;
	v38 =	vshll.u32 v39, v3;
	v40 =	vld [tilespmem:s25+$0xFFFFFFC0];
	[tilespmem:v51+s13+$0x0] =	vst.idx.msk $0xffff, v50  }
0x81: {  	v51 =	vadd.s32 v19, v36;
	v39 =	vbroadcast v38, $0x0;
	v38 =	vshll.u32 v41, v3;
	v50 =	vld [tilespmem:s25+$0x0];
	[tilespmem:v52+s13+$0x0] =	vst.idx.msk $0xffff, v48  }
0x82: {  	v38 =	vbroadcast v38, $0x0;
	v48 =	vadd.s32 v32, v43;
	[tilespmem:v54+s13+$0x0] =	vst.idx.msk $0xffff, v53;
	v41 =	vld [tilespmem:s25+$0xD0]  }
0x83: {  	[tilespmem:v44+s13+$0x0] =	vst.idx.msk $0xffff, v42;
	v42 =	vld [tilespmem:s25+$0x40];
	v44 =	vadd.s32 v23, v39  }
0x84: {  	[tilespmem:v46+s13+$0x0] =	vst.idx.msk $0xffff, v45;
	v45 =	vld [tilespmem:s25+$0x80];
	v46 =	vadd.s32 v27, v38  }
0x85: {  	v53 =	vadd.s32 v8, v49;
	v52 =	vld [tilespmem:s25+$0xFFFFFF50];
	[tilespmem:v47+s13+$0x0] =	vst.idx.msk $0xffff, v40  }
0x86: {  	v47 =	vadd.s32 v12, v55;
	v40 =	vld [tilespmem:s25+$0xFFFFFF90];
	[tilespmem:v51+s13+$0x0] =	vst.idx.msk $0xffff, v50  }
0x87: {  	v51 =	vadd.s32 v16, v37;
	v50 =	vld [tilespmem:s25+$0xFFFFFFD0];
	[tilespmem:v48+s13+$0x0] =	vst.idx.msk $0xffff, v41  }
0x88: {  	[tilespmem:v44+s13+$0x0] =	vst.idx.msk $0xffff, v42;
	v41 =	vld [tilespmem:s25+$0xE0];
	v42 =	vadd.s32 v33, v43  }
0x89: {  	v48 =	vadd.s32 v20, v36;
	v44 =	vld [tilespmem:s25+$0x10];
	[tilespmem:v46+s13+$0x0] =	vst.idx.msk $0xffff, v45  }
0x8a: {  	v46 =	vadd.s32 v24, v39;
	[tilespmem:v53+s13+$0x0] =	vst.idx.msk $0xffff, v52;
	v45 =	vld [tilespmem:s25+$0x50]  }
0x8b: {  	[tilespmem:v47+s13+$0x0] =	vst.idx.msk $0xffff, v40;
	v40 =	vld [tilespmem:s25+$0x90];
	v47 =	vadd.s32 v28, v38  }
0x8c: {  	v53 =	vadd.s32 v4, v35;
	v52 =	vld [tilespmem:s25+$0xFFFFFF10];
	[tilespmem:v51+s13+$0x0] =	vst.idx.msk $0xffff, v50  }
0x8d: {  	v51 =	vadd.s32 v9, v49;
	v50 =	vld [tilespmem:s25+$0xFFFFFF60];
	[tilespmem:v42+s13+$0x0] =	vst.idx.msk $0xffff, v41  }
0x8e: {  	[tilespmem:v48+s13+$0x0] =	vst.idx.msk $0xffff, v44;
	v41 =	vld [tilespmem:s25+$0xF0];
	v48 =	vadd.s32 v34, v43  }
0x8f: {  	v58 =	vadd.s32 v13, v55;
	v57 =	vld [tilespmem:s25+$0xFFFFFFA0];
	[tilespmem:v46+s13+$0x0] =	vst.idx.msk $0xffff, v45  }
0x90: {  	v60 =	vadd.s32 v17, v37;
	v59 =	vld [tilespmem:s25+$0xFFFFFFE0];
	[tilespmem:v47+s13+$0x0] =	vst.idx.msk $0xffff, v40  }
0x91: {  	v62 =	vadd.s32 v21, v36;
	[tilespmem:v53+s13+$0x0] =	vst.idx.msk $0xffff, v52;
	v61 =	vld [tilespmem:s25+$0x20]  }
.Ltmp4:
0x92: {  	s28 =	sadd.s32 $0x1, s26;
	v43 =	vadd.s32 v25, v39;
	v40 =	vmov s26;
	[tilespmem:v51+s13+$0x0] =	vst.idx.msk $0xffff, v50;
	v42 =	vld [tilespmem:s25+$0x60];
	(pc) =	sbr.rel @p1 .LBB2_7-.Ltmp4, $4  }
0x93: {  	s29 =	sadd.s32 $0x3, s26;
	v54 =	vmov s28;
	s28 =	sadd.s32 $0x2, s26;
	v45 =	vadd.s32 v29, v38;
	v52 =	vshrl.u32 v40, $0x3;
	v44 =	vld [tilespmem:s25+$0xA0];
	[tilespmem:v48+s13+$0x0] =	vst.idx.msk $0xffff, v41  }
0x94: {  	v56 =	vmov s28;
	s28 =	sadd.s32 $0x4, s26;
	v46 =	vmov s29;
	s29 =	sadd.s32 $0x5, s26;
	v50 =	vadd.s32 v5, v35;
	v47 =	vld [tilespmem:s25+$0xFFFFFF20];
	[tilespmem:v58+s13+$0x0] =	vst.idx.msk $0xffff, v57  }
0x95: {  	v40 =	vmov s29;
	v53 =	vadd.s32 v10, v49;
	v48 =	vmov s28;
	s28 =	sadd.s32 $0x6, s26;
	v51 =	vld [tilespmem:s25+$0xFFFFFF70];
	[tilespmem:v60+s13+$0x0] =	vst.idx.msk $0xffff, v59  }
0x96: {  	v55 =	vadd.s32 v14, v55;
	v49 =	vshll.u32 v52, v3;
	v41 =	vmov s28;
	s28 =	sadd.s32 $0x7, s26;
	s26 =	sadd.s32 $0x8, s26;
	v52 =	vld [tilespmem:s25+$0xFFFFFFB0];
	[tilespmem:v62+s13+$0x0] =	vst.idx.msk $0xffff, v61  }
0x97: {  	_ =	sdelay $0x2  }
0x98: {  	v54 =	vshrl.u32 v54, $0x3  }
0x99: {  	v57 =	vmov s28;
	v58 =	vld [tilespmem:s25+$0xFFFFFFF0];
	v37 =	vadd.s32 v18, v37;
	[tilespmem:v43+s13+$0x0] =	vst.idx.msk $0xffff, v42;
	v42 =	vshrl.u32 v56, $0x3  }
0x9a: {  	v63 =	vld [tilespmem:s25+$0x30];
	v36 =	vadd.s32 v22, v36;
	v39 =	vadd.s32 v26, v39;
	v62 =	vshrl.u32 v57, $0x3;
	[tilespmem:v45+s13+$0x0] =	vst.idx.msk $0xffff, v44  }
0x9b: {  	v60 =	vshrl.u32 v48, $0x3;
	v38 =	vadd.s32 v30, v38;
	v59 =	vld [tilespmem:s25+$0x70];
	v43 =	vshll.u32 v62, v3;
	[tilespmem:v50+s13+$0x0] =	vst.idx.msk $0xffff, v47  }
0x9c: {  	v48 =	vbroadcast v49, $0x0;
	v61 =	vld [tilespmem:s25+$0xB0];
	v62 =	vshll.u32 v54, v3;
	v43 =	vbroadcast v43, $0x0;
	[tilespmem:v53+s13+$0x0] =	vst.idx.msk $0xffff, v51  }
0x9d: {  	v35 =	vadd.s32 v6, v35;
	s26 =	sadd.s32 $0x200, s25;
	v40 =	vshrl.u32 v40, $0x3;
	v50 =	vld [tilespmem:s25+$0xFFFFFF30];
	v49 =	vbroadcast v62, $0x0;
	[tilespmem:v55+s13+$0x0] =	vst.idx.msk $0xffff, v52  }
0x9e: {  	v57 =	vshrl.u32 v46, $0x3;
	v42 =	vshll.u32 v42, v3;
	v51 =	vld [tilespmem:s26+$0xC0];
	v52 =	vadd.s32 v31, v43;
	[tilespmem:v37+s13+$0x0] =	vst.idx.msk $0xffff, v58  }
0x9f: {  	v42 =	vbroadcast v42, $0x0;
	v44 =	vshll.u32 v57, v3;
	[tilespmem:v36+s13+$0x0] =	vst.idx.msk $0xffff, v63;
	v36 =	vld [tilespmem:s26+$0xFFFFFF40];
	v63 =	vadd.s32 v7, v49  }
0xa0: {  	v46 =	vshll.u32 v60, v3;
	v53 =	vadd.s32 v0, v48;
	v44 =	vbroadcast v44, $0x0;
	v37 =	vld [tilespmem:s26+$0xFFFFFF00];
	[tilespmem:v39+s13+$0x0] =	vst.idx.msk $0xffff, v59  }
0xa1: {  	v40 =	vshll.u32 v40, v3;
	v57 =	vld [tilespmem:s26+$0xFFFFFF80];
	v46 =	vbroadcast v46, $0x0;
	v58 =	vadd.s32 v11, v42;
	[tilespmem:v38+s13+$0x0] =	vst.idx.msk $0xffff, v61  }
0xa2: {  	v40 =	vbroadcast v40, $0x0;
	v60 =	vadd.s32 v15, v44;
	v59 =	vld [tilespmem:s26+$0xFFFFFFC0];
	[tilespmem:v35+s13+$0x0] =	vst.idx.msk $0xffff, v50  }
0xa3: {  	v41 =	vshrl.u32 v41, $0x3;
	v62 =	vadd.s32 v19, v46;
	v61 =	vld [tilespmem:s26+$0x0];
	[tilespmem:v52+s13+$0x0] =	vst.idx.msk $0xffff, v51  }
0xa4: {  	v41 =	vshll.u32 v41, v3;
	[tilespmem:v63+s13+$0x0] =	vst.idx.msk $0xffff, v36;
	v36 =	vld [tilespmem:s26+$0x40];
	v63 =	vadd.s32 v23, v40  }
0xa5: {  	[tilespmem:v53+s13+$0x0] =	vst.idx.msk $0xffff, v37;
	v37 =	vbroadcast v41, $0x0;
	v51 =	vadd.s32 v32, v43;
	v41 =	vld [tilespmem:s26+$0xD0]  }
0xa6: {  	[tilespmem:v58+s13+$0x0] =	vst.idx.msk $0xffff, v57;
	v58 =	vadd.s32 v8, v49;
	v57 =	vld [tilespmem:s26+$0xFFFFFF50]  }
0xa7: {  	v39 =	vld [tilespmem:s26+$0x80];
	[tilespmem:v60+s13+$0x0] =	vst.idx.msk $0xffff, v59;
	v45 =	vadd.s32 v27, v37  }
0xa8: {  	v59 =	vld [tilespmem:s26+$0xFFFFFF90];
	v60 =	vadd.s32 v12, v42;
	[tilespmem:v62+s13+$0x0] =	vst.idx.msk $0xffff, v61  }
0xa9: {  	v61 =	vld [tilespmem:s26+$0xFFFFFFD0];
	v62 =	vadd.s32 v16, v44;
	[tilespmem:v63+s13+$0x0] =	vst.idx.msk $0xffff, v36  }
0xaa: {  	v63 =	vadd.s32 v20, v46;
	[tilespmem:v51+s13+$0x0] =	vst.idx.msk $0xffff, v41;
	v51 =	vld [tilespmem:s26+$0x10]  }
0xab: {  	v41 =	vadd.s32 v33, v43;
	[tilespmem:v58+s13+$0x0] =	vst.idx.msk $0xffff, v57;
	v36 =	vld [tilespmem:s26+$0xE0]  }
0xac: {  	[tilespmem:v45+s13+$0x0] =	vst.idx.msk $0xffff, v39;
	v39 =	vld [tilespmem:s26+$0x50];
	v45 =	vadd.s32 v24, v40  }
0xad: {  	[tilespmem:v60+s13+$0x0] =	vst.idx.msk $0xffff, v59;
	v59 =	vld [tilespmem:s26+$0xFFFFFF10];
	v60 =	vadd.s32 v4, v48  }
0xae: {  	v58 =	vadd.s32 v28, v37;
	[tilespmem:v62+s13+$0x0] =	vst.idx.msk $0xffff, v61;
	v57 =	vld [tilespmem:s26+$0x90]  }
0xaf: {  	v61 =	vld [tilespmem:s26+$0xFFFFFF60];
	v62 =	vadd.s32 v9, v49;
	[tilespmem:v63+s13+$0x0] =	vst.idx.msk $0xffff, v51  }
0xb0: {  	v63 =	vadd.s32 v34, v43;
	v43 =	vld [tilespmem:s26+$0xFFFFFFA0];
	v51 =	vadd.s32 v13, v42;
	[tilespmem:v41+s13+$0x0] =	vst.idx.msk $0xffff, v36  }
0xb1: {  	v56 =	vadd.s32 v17, v44;
	[tilespmem:v45+s13+$0x0] =	vst.idx.msk $0xffff, v39;
	v39 =	vld [tilespmem:s26+$0xFFFFFFE0]  }
0xb2: {  	[tilespmem:v60+s13+$0x0] =	vst.idx.msk $0xffff, v59;
	v36 =	vld [tilespmem:s26+$0xF0]  }
0xb3: {  	[tilespmem:v58+s13+$0x0] =	vst.idx.msk $0xffff, v57;
	v57 =	vld [tilespmem:s26+$0x20];
	v58 =	vadd.s32 v21, v46  }
0xb4: {  	v60 =	vadd.s32 v25, v40;
	[tilespmem:v62+s13+$0x0] =	vst.idx.msk $0xffff, v61;
	v59 =	vld [tilespmem:s26+$0x60]  }
0xb5: {  	v49 =	vadd.s32 v10, v49;
	v55 =	vld [tilespmem:s26+$0xFFFFFF70];
	[tilespmem:v51+s13+$0x0] =	vst.idx.msk $0xffff, v43  }
0xb6: {  	v62 =	vadd.s32 v29, v37;
	v61 =	vld [tilespmem:s26+$0xA0];
	[tilespmem:v56+s13+$0x0] =	vst.idx.msk $0xffff, v39  }
0xb7: {  	v54 =	vadd.s32 v5, v48;
	[tilespmem:v63+s13+$0x0] =	vst.idx.msk $0xffff, v36;
	v63 =	vld [tilespmem:s26+$0xFFFFFF20]  }
0xb8: {  	v42 =	vadd.s32 v14, v42;
	v56 =	vld [tilespmem:s26+$0xFFFFFFB0];
	[tilespmem:v58+s13+$0x0] =	vst.idx.msk $0xffff, v57  }
0xb9: {  	v44 =	vadd.s32 v18, v44;
	v57 =	vld [tilespmem:s26+$0xFFFFFFF0];
	[tilespmem:v60+s13+$0x0] =	vst.idx.msk $0xffff, v59  }
0xba: {  	v59 =	vadd.s32 v22, v46;
	[tilespmem:v49+s13+$0x0] =	vst.idx.msk $0xffff, v55;
	v58 =	vld [tilespmem:s26+$0x30]  }
0xbb: {  	v40 =	vadd.s32 v26, v40;
	[tilespmem:v62+s13+$0x0] =	vst.idx.msk $0xffff, v61;
	v60 =	vld [tilespmem:s26+$0x70]  }
0xbc: {  	v37 =	vadd.s32 v30, v37;
	v61 =	vld [tilespmem:s26+$0xB0];
	[tilespmem:v54+s13+$0x0] =	vst.idx.msk $0xffff, v63  }
0xbd: {  	s31 =	sadd.s32 s6, s24;
	[tilespmem:v42+s13+$0x0] =	vst.idx.msk $0xffff, v56;
	v63 =	vadd.s32 v6, v48;
	v62 =	vld [tilespmem:s26+$0xFFFFFF30]  }
0xbe: {  	[tilespmem:v44+s13+$0x0] =	vst.idx.msk $0xffff, v57;
	s26 =	sshll.u32 s31, $0x4  }
0xbf: {  	s25 =	sshll.u32 s31, $0xA;
	[tilespmem:v59+s13+$0x0] =	vst.idx.msk $0xffff, v58;
	s26 =	sand.u32 $0x1E0, s26  }
0xc0: {  	s25 =	sand.u32 $0xFFF8000, s25;
	[tilespmem:v40+s13+$0x0] =	vst.idx.msk $0xffff, v60;
	s26 =	sadd.s32 s4, s26  }
0xc1: {  	s28 =	simm.s32 $0x200;
	[tilespmem:v37+s13+$0x0] =	vst.idx.msk $0xffff, v61;
	s25 =	sadd.s32 s25, s26  }
0xc2: {  	s29 =	simm.s32 $0x5998;
	s26 =	simm.s32 $0x5910;
	s30 =	sadd.s32 $0x0, s25;
	[tilespmem:v63+s13+$0x0] =	vst.idx.msk $0xffff, v62  }
.LBB2_9:
0xc3: {  	[hbm4b:s30+s2] =	stream.linear.scatter [tilespmem:s26], [sflag:$0x3], $0x80, $0x38;
	[tilespmem:$0x9D20] =	vst v63  }
0xc4: {  	s30 =	smov.u32 s28;
	s26 =	smov.u32 s29;
	p1 =	sne.s32 s28, $0x7E00  }
.Ltmp5:
0xc5: {  	s28 =	sadd.s32 $0x200, s28;
	(pc) =	sbr.rel @p1 .LBB2_9-.Ltmp5, $2  }
0xc6: {  	_ =	sdelay $0x2  }
0xc7: {  	s29 =	sadd.s32 $0x88, s29;
	s30 =	sadd.s32 s30, s25  }
0xc8: {  	[hbm4b:s30+s2] =	stream.linear.scatter [tilespmem:s26], [sflag:$0x3], $0x80, $0x38;
	[tilespmem:$0x9D20] =	vst v63  }
0xc9: {  	p1 =	seq.s32 s22, $0x18  }
0xca: {  	s25 =	sadd.s32 @!p1 $0x100, s23;
	s26 =	simm.s32 @!p1 $0x80;
	s28 =	simm.s32 @!p1 $0x1910  }
0xcb: {  	[tilespmem:s28], [sflag:$0x1] =	stream.indirect.gather @!p1 [hbm4b:s3+s26], $0x40, s25, s26, $0xb8;
	[tilespmem:$0x9D20] =	vst v63  }
0xcc: {  	s24 =	sor.u32 $0x1, s24;
	_ =	swait.ge [sflag:s14], $0x2000  }
0xcd: {  	s30 =	sshll.u32 s24, $0x7;
	[sflag:s14] =	ssyncset.done $0x0  }
0xce: {  	s25 =	sand.u32 $0x3FFFFF80, s30;
	[sflag:s14] =	ssyncadd.s32 $0xFFFFE000  }
0xcf: {  	v35 =	vld [tilespmem:s25+$0x0]  }
0xd0: {  	v36 =	vld [tilespmem:s25+$0x10]  }
0xd1: {  	v37 =	vld [tilespmem:s25+$0x20]  }
0xd2: {  	v38 =	vld [tilespmem:s25+$0x30]  }
0xd3: {  	v39 =	vld [tilespmem:s25+$0x40]  }
0xd4: {  	v40 =	vld [tilespmem:s25+$0x50]  }
0xd5: {  	v61 =	vld [tilespmem:s25+$0x60];
	vm0 =	veq.s32 v35, $0x0;
	vm1 =	veq.s32 v36, $0x0  }
0xd6: {  	v62 =	vld [tilespmem:s25+$0x70];
	vm10 =	veq.s32 v37, $0x0;
	vm0 =	vmor vm0, vm1  }
0xd7: {  	vm11 =	veq.s32 v38, $0x0;
	vm0 =	vmor vm0, vm10  }
0xd8: {  	vm12 =	veq.s32 v39, $0x0;
	vm0 =	vmor vm0, vm11  }
0xd9: {  	vm13 =	veq.s32 v40, $0x0;
	vm0 =	vmor vm0, vm12  }
0xda: {  	vm14 =	veq.s32 v61, $0x0;
	vm0 =	vmor vm0, vm13  }
0xdb: {  	vm15 =	veq.s32 v62, $0x0;
	vm0 =	vmor vm0, vm14  }
0xdc: {  	vm0 =	vmor vm0, vm15;
	_ =	sdelay $0x4  }
0xdd: {  	[tilespmem:$0x9D10] =	vst v1  }
0xde: {  	[tilespmem:v1+s12+$0x0] =	vst.idx.msk vm0, v2  }
0xdf: {  	v63 =	vld [tilespmem:$0x9D10];
	_ =	sdelay $0x4  }
0xe0: {  	(v2sf) =	vpush v63, $0x0;
	_ =	sdelay $0xe  }
0xe1: {  	s31 =	spop (v2sf)  }
0xe2: {  	p2 =	slt.s32 s31, $0x1  }
.Ltmp6:
0xe3: {  	_ = 	snop;
	(pc) =	sbr.rel @p2 .LBB2_14-.Ltmp6, $2  }
0xe4: {  	_ =	sdelay $0x2  }
0xe5: {  	s25 =	simm.s32 $0x0  }
0xe6: {  	v35 =	vld [tilespmem:s20+$0x0];
	_ =	sdelay $0x4  }
0xe7: {  	(v2sf) =	vpush v35, $0x0;
	_ =	sdelay $0xe  }
0xe8: {  	s26 =	spop (v2sf)  }
0xe9: {  	p3 =	sne.s32 s26, $0x0  }
0xea: {  	s28 =	simm.s32 @!p3 $0x0;
	v36 =	vlaneseq.u32 @!p3  }
0xeb: {  	v37 =	vor.u32 @!p3 s28, v36;
	v35 =	vor.u32 @!p3 $0x10, v36  }
0xec: {  	v38 =	vor.u32 @!p3 $0x20, v36;
	v39 =	vor.u32 @!p3 s28, v35  }
0xed: {  	v36 =	vor.u32 @!p3 $0x30, v36;
	v38 =	vor.u32 @!p3 s28, v38  }
0xee: {  	v36 =	vor.u32 @!p3 s28, v36  }
0xef: {  	s29 =	simm.s32 @!p3 $0x3910;
	v35 =	vimm.f32 @!p3 $0.0e+00  }
0xf0: {  	[tilespmem:v37+s29+$0x0] =	vst.idx.msk @!p3 $0xffff, v35  }
0xf1: {  	[tilespmem:v39+s29+$0x0] =	vst.idx.msk @!p3 $0xffff, v35  }
0xf2: {  	s26 =	simm.s32 $0x1;
	s28 =	smov.u32 s20;
	[tilespmem:v38+s29+$0x0] =	vst.idx.msk @!p3 $0xffff, v35  }
.LBB2_12:
0xf3: {  	[tilespmem:v36+s29+$0x0] =	vst.idx.msk @!p3 $0xffff, v35;
	s28 =	sadd.s32 $0x1, s28;
	s29 =	smov.u32 s26;
	s26 =	sadd.s32 $0x1, s26  }
0xf4: {  	v35 =	vld [tilespmem:s28+$0x0];
	p2 =	sne.s32 s26, $0x80;
	_ =	sdelay $0x4  }
0xf5: {  	(v2sf) =	vpush v35, $0x0;
	_ =	sdelay $0xe  }
0xf6: {  	s30 =	spop (v2sf)  }
0xf7: {  	p3 =	sne.s32 s30, $0x0  }
0xf8: {  	s29 =	sshll.u32 @!p3 s29, $0x6;
	v35 =	vlaneseq.u32 @!p3  }
0xf9: {  	v37 =	vor.u32 @!p3 s29, v35;
	v36 =	vor.u32 @!p3 $0x10, v35;
	v38 =	vor.u32 @!p3 $0x20, v35  }
0xfa: {  	v35 =	vor.u32 @!p3 $0x30, v35;
	v39 =	vor.u32 @!p3 s29, v36;
	v38 =	vor.u32 @!p3 s29, v38  }
0xfb: {  	v36 =	vor.u32 @!p3 s29, v35  }
.Ltmp7:
0xfc: {  	(pc) =	sbr.rel @p2 .LBB2_12-.Ltmp7, $4  }
0xfd: {  	v35 =	vimm.f32 @!p3 $0.0e+00;
	s29 =	simm.s32 @!p3 $0x3910  }
0xfe: {  	[tilespmem:v37+s29+$0x0] =	vst.idx.msk @!p3 $0xffff, v35  }
0xff: {  	[tilespmem:v39+s29+$0x0] =	vst.idx.msk @!p3 $0xffff, v35  }
0x100: {  	[tilespmem:v38+s29+$0x0] =	vst.idx.msk @!p3 $0xffff, v35  }
0x101: {  	_ =	sdelay $0x3  }
0x102: {  	[tilespmem:v36+s29+$0x0] =	vst.idx.msk @!p3 $0xffff, v35  }
.LBB2_14:
0x103: {  	v35 =	vmov s25;
	s31 =	simm.s32 $0x1  }
0x104: {  	s26 =	simm.s32 $0x2;
	s29 =	simm.s32 $0x3;
	s30 =	simm.s32 $0x4;
	v35 =	vshrl.u32 v35, $0x3;
	v36 =	vmov s31  }
0x105: {  	s28 =	simm.s32 $0x7;
	v37 =	vmov s26;
	v38 =	vmov s29;
	s31 =	simm.s32 $0x5;
	v39 =	vmov s30  }
0x106: {  	v40 =	vmov s28;
	s29 =	simm.s32 $0x6;
	v41 =	vmov s31;
	v35 =	vshll.u32 v35, v3  }
0x107: {  	s26 =	simm.s32 @!p0 $0x4;
	v40 =	vshrl.u32 v40, $0x3;
	v42 =	vmov s29;
	v36 =	vshrl.u32 v36, $0x3  }
0x108: {  	_ =	swait.ge @!p0 [sflag:s26], $0x2000;
	v37 =	vshrl.u32 v37, $0x3;
	v38 =	vshrl.u32 v38, $0x3;
	v39 =	vshrl.u32 v39, $0x3  }
0x109: {  	v40 =	vshll.u32 v40, v3;
	[sflag:s26] =	ssyncset.done @!p0 $0x0;
	v35 =	vbroadcast v35, $0x0;
	v36 =	vshll.u32 v36, v3  }
0x10a: {  	s25 =	simm.s32 $0x3B00;
	v59 =	vshll.u32 v37, v3;
	v60 =	vshll.u32 v38, v3;
	v40 =	vbroadcast v40, $0x0;
	[sflag:s26] =	ssyncadd.s32 @!p0 $0xFFFFE000  }
0x10b: {  	v61 =	vshll.u32 v39, v3;
	v47 =	vbroadcast v36, $0x0;
	v45 =	vld [tilespmem:s25+$0xFFFFFE10];
	v46 =	vadd.s32 v0, v35  }
0x10c: {  	v62 =	vshrl.u32 v41, $0x3;
	v54 =	vbroadcast v59, $0x0;
	v43 =	vld [tilespmem:s25+$0xFFFFFFD0];
	v44 =	vadd.s32 v31, v40  }
0x10d: {  	v42 =	vshrl.u32 v42, $0x3;
	v37 =	vbroadcast v60, $0x0;
	v48 =	vld [tilespmem:s25+$0xFFFFFE50];
	v49 =	vadd.s32 v7, v47  }
0x10e: {  	v36 =	vbroadcast v61, $0x0;
	v38 =	vshll.u32 v62, v3;
	v50 =	vld [tilespmem:s25+$0xFFFFFE90];
	v51 =	vadd.s32 v11, v54  }
0x10f: {  	v57 =	vshll.u32 v42, v3;
	v63 =	vld [tilespmem:s25+$0xFFFFFED0];
	v39 =	vbroadcast v38, $0x0;
	v52 =	vadd.s32 v15, v37  }
0x110: {  	v53 =	vld [tilespmem:s25+$0xFFFFFF10];
	v38 =	vbroadcast v57, $0x0;
	v55 =	vadd.s32 v19, v36;
	[tilespmem:v46+s15+$0x0] =	vst.idx.msk $0xffff, v45  }
0x111: {  	v59 =	vld [tilespmem:s25+$0xFFFFFF50];
	v60 =	vadd.s32 v23, v39;
	[tilespmem:v44+s15+$0x0] =	vst.idx.msk $0xffff, v43  }
0x112: {  	v61 =	vadd.s32 v27, v38;
	v46 =	vld [tilespmem:s25+$0xFFFFFF90];
	[tilespmem:v49+s15+$0x0] =	vst.idx.msk $0xffff, v48  }
0x113: {  	v58 =	vadd.s32 v32, v40;
	[tilespmem:v51+s15+$0x0] =	vst.idx.msk $0xffff, v50;
	v42 =	vld [tilespmem:s25+$0xFFFFFFE0]  }
0x114: {  	v62 =	vadd.s32 v8, v47;
	[tilespmem:v52+s15+$0x0] =	vst.idx.msk $0xffff, v63;
	v49 =	vld [tilespmem:s25+$0xFFFFFE60]  }
0x115: {  	[tilespmem:v55+s15+$0x0] =	vst.idx.msk $0xffff, v53;
	v50 =	vld [tilespmem:s25+$0xFFFFFE20];
	v51 =	vadd.s32 v4, v35  }
0x116: {  	v56 =	vadd.s32 v12, v54;
	v63 =	vld [tilespmem:s25+$0xFFFFFEA0];
	[tilespmem:v60+s15+$0x0] =	vst.idx.msk $0xffff, v59  }
0x117: {  	v57 =	vadd.s32 v16, v37;
	v52 =	vld [tilespmem:s25+$0xFFFFFEE0];
	[tilespmem:v61+s15+$0x0] =	vst.idx.msk $0xffff, v46  }
0x118: {  	v59 =	vld [tilespmem:s25+$0xFFFFFF20];
	v60 =	vadd.s32 v20, v36;
	[tilespmem:v58+s15+$0x0] =	vst.idx.msk $0xffff, v42  }
0x119: {  	v61 =	vld [tilespmem:s25+$0xFFFFFF60];
	[tilespmem:v62+s15+$0x0] =	vst.idx.msk $0xffff, v49;
	v62 =	vadd.s32 v24, v39  }
0x11a: {  	[tilespmem:v51+s15+$0x0] =	vst.idx.msk $0xffff, v50;
	v58 =	vadd.s32 v33, v40;
	v42 =	vld [tilespmem:s25+$0xFFFFFFF0]  }
0x11b: {  	v41 =	vld [tilespmem:s25+$0xFFFFFFA0];
	[tilespmem:v56+s15+$0x0] =	vst.idx.msk $0xffff, v63;
	v49 =	vadd.s32 v28, v38  }
0x11c: {  	v53 =	vadd.s32 v9, v47;
	[tilespmem:v57+s15+$0x0] =	vst.idx.msk $0xffff, v52;
	v52 =	vld [tilespmem:s25+$0xFFFFFE70]  }
0x11d: {  	[tilespmem:v60+s15+$0x0] =	vst.idx.msk $0xffff, v59;
	v60 =	vadd.s32 v17, v37;
	v59 =	vld [tilespmem:s25+$0xFFFFFEF0]  }
0x11e: {  	[tilespmem:v62+s15+$0x0] =	vst.idx.msk $0xffff, v61;
	v61 =	vld [tilespmem:s25+$0xFFFFFF30];
	v62 =	vadd.s32 v21, v36  }
0x11f: {  	v57 =	vld [tilespmem:s25+$0xFFFFFEB0];
	[tilespmem:v58+s15+$0x0] =	vst.idx.msk $0xffff, v42;
	v58 =	vadd.s32 v13, v54  }
0x120: {  	s31 =	simm.s32 $0x9;
	v40 =	vadd.s32 v34, v40;
	[tilespmem:v49+s15+$0x0] =	vst.idx.msk $0xffff, v41;
	v56 =	vld [tilespmem:s25+$0x0]  }
0x121: {  	s30 =	simm.s32 $0x8;
	s28 =	simm.s32 $0xB;
	v43 =	vadd.s32 v25, v39;
	v55 =	vmov s31;
	[tilespmem:v53+s15+$0x0] =	vst.idx.msk $0xffff, v52;
	v42 =	vld [tilespmem:s25+$0xFFFFFF70]  }
0x122: {  	v45 =	vadd.s32 v29, v38;
	v46 =	vmov s28;
	v63 =	vmov s30;
	s30 =	simm.s32 $0xC;
	v44 =	vld [tilespmem:s25+$0xFFFFFFB0];
	[tilespmem:v60+s15+$0x0] =	vst.idx.msk $0xffff, v59  }
0x123: {  	s31 =	simm.s32 $0xE;
	v50 =	vadd.s32 v5, v35;
	v48 =	vld [tilespmem:s25+$0xFFFFFE30];
	v41 =	vshrl.u32 v63, $0x3;
	v49 =	vmov s30;
	[tilespmem:v62+s15+$0x0] =	vst.idx.msk $0xffff, v61  }
0x124: {  	s29 =	simm.s32 $0xA;
	s28 =	simm.s32 $0xD;
	v53 =	vadd.s32 v10, v47;
	v47 =	vshll.u32 v41, v3;
	v41 =	vmov s31;
	v51 =	vld [tilespmem:s25+$0xFFFFFE80];
	[tilespmem:v58+s15+$0x0] =	vst.idx.msk $0xffff, v57  }
0x125: {  	s26 =	simm.s32 $0x10;
	v54 =	vadd.s32 v14, v54;
	[tilespmem:v40+s15+$0x0] =	vst.idx.msk $0xffff, v56;
	v56 =	vmov s29;
	v40 =	vmov s28;
	s28 =	simm.s32 $0xF;
	v52 =	vld [tilespmem:s25+$0xFFFFFEC0]  }
.LBB2_15:
0x126: {  	p0 =	slt.u32 s26, $0x78;
	v55 =	vshrl.u32 v55, $0x3;
	v57 =	vmov s28;
	v58 =	vld [tilespmem:s25+$0xFFFFFF00];
	v37 =	vadd.s32 v18, v37;
	[tilespmem:v43+s15+$0x0] =	vst.idx.msk $0xffff, v42  }
0x127: {  	v42 =	vshrl.u32 v56, $0x3;
	v36 =	vadd.s32 v22, v36;
	v43 =	vshrl.u32 v57, $0x3;
	v56 =	vld [tilespmem:s25+$0xFFFFFF40];
	[tilespmem:v45+s15+$0x0] =	vst.idx.msk $0xffff, v44  }
0x128: {  	v39 =	vadd.s32 v26, v39;
	v44 =	vshrl.u32 v46, $0x3;
	v43 =	vshll.u32 v43, v3;
	[tilespmem:v50+s15+$0x0] =	vst.idx.msk $0xffff, v48;
	v45 =	vld [tilespmem:s25+$0xFFFFFF80]  }
0x129: {  	v38 =	vadd.s32 v30, v38;
	v46 =	vshrl.u32 v49, $0x3;
	v43 =	vbroadcast v43, $0x0;
	[tilespmem:v53+s15+$0x0] =	vst.idx.msk $0xffff, v51;
	v48 =	vld [tilespmem:s25+$0xFFFFFFC0]  }
0x12a: {  	v49 =	vshll.u32 v55, v3;
	v51 =	vadd.s32 v6, v35;
	v35 =	vbroadcast v47, $0x0;
	v50 =	vld [tilespmem:s25+$0xFFFFFE40];
	[tilespmem:v54+s15+$0x0] =	vst.idx.msk $0xffff, v52;
	s25 =	sadd.s32 $0x200, s25  }
0x12b: {  	v42 =	vshll.u32 v42, v3;
	v47 =	vbroadcast v49, $0x0;
	v49 =	vld [tilespmem:s25+$0xFFFFFFD0];
	v52 =	vadd.s32 v31, v43;
	[tilespmem:v37+s15+$0x0] =	vst.idx.msk $0xffff, v58  }
0x12c: {  	v57 =	vbroadcast v42, $0x0;
	v54 =	vadd.s32 v0, v35;
	v37 =	vshll.u32 v44, v3;
	v53 =	vld [tilespmem:s25+$0xFFFFFE10];
	[tilespmem:v36+s15+$0x0] =	vst.idx.msk $0xffff, v56  }
0x12d: {  	v44 =	vadd.s32 v7, v47;
	v37 =	vbroadcast v37, $0x0;
	v36 =	vshll.u32 v46, v3;
	v42 =	vld [tilespmem:s25+$0xFFFFFE50];
	[tilespmem:v39+s15+$0x0] =	vst.idx.msk $0xffff, v45  }
0x12e: {  	v46 =	vadd.s32 v11, v57;
	v36 =	vbroadcast v36, $0x0;
	v39 =	vshrl.u32 v40, $0x3;
	v45 =	vld [tilespmem:s25+$0xFFFFFE90];
	[tilespmem:v38+s15+$0x0] =	vst.idx.msk $0xffff, v48  }
0x12f: {  	v41 =	vshrl.u32 v41, $0x3;
	v48 =	vadd.s32 v15, v37;
	v38 =	vshll.u32 v39, v3;
	v40 =	vld [tilespmem:s25+$0xFFFFFED0];
	[tilespmem:v51+s15+$0x0] =	vst.idx.msk $0xffff, v50  }
0x130: {  	v51 =	vadd.s32 v19, v36;
	v39 =	vbroadcast v38, $0x0;
	v38 =	vshll.u32 v41, v3;
	v50 =	vld [tilespmem:s25+$0xFFFFFF10];
	[tilespmem:v52+s15+$0x0] =	vst.idx.msk $0xffff, v49  }
0x131: {  	v38 =	vbroadcast v38, $0x0;
	v49 =	vadd.s32 v32, v43;
	[tilespmem:v54+s15+$0x0] =	vst.idx.msk $0xffff, v53;
	v41 =	vld [tilespmem:s25+$0xFFFFFFE0]  }
0x132: {  	[tilespmem:v44+s15+$0x0] =	vst.idx.msk $0xffff, v42;
	v42 =	vld [tilespmem:s25+$0xFFFFFF50];
	v44 =	vadd.s32 v23, v39  }
0x133: {  	[tilespmem:v46+s15+$0x0] =	vst.idx.msk $0xffff, v45;
	v45 =	vld [tilespmem:s25+$0xFFFFFF90];
	v46 =	vadd.s32 v27, v38  }
0x134: {  	v53 =	vadd.s32 v8, v47;
	v52 =	vld [tilespmem:s25+$0xFFFFFE60];
	[tilespmem:v48+s15+$0x0] =	vst.idx.msk $0xffff, v40  }
0x135: {  	v48 =	vadd.s32 v12, v57;
	v40 =	vld [tilespmem:s25+$0xFFFFFEA0];
	[tilespmem:v51+s15+$0x0] =	vst.idx.msk $0xffff, v50  }
0x136: {  	v51 =	vadd.s32 v16, v37;
	v50 =	vld [tilespmem:s25+$0xFFFFFEE0];
	[tilespmem:v49+s15+$0x0] =	vst.idx.msk $0xffff, v41  }
0x137: {  	[tilespmem:v44+s15+$0x0] =	vst.idx.msk $0xffff, v42;
	v41 =	vld [tilespmem:s25+$0xFFFFFFF0];
	v42 =	vadd.s32 v33, v43  }
0x138: {  	v49 =	vadd.s32 v20, v36;
	v44 =	vld [tilespmem:s25+$0xFFFFFF20];
	[tilespmem:v46+s15+$0x0] =	vst.idx.msk $0xffff, v45  }
0x139: {  	v46 =	vadd.s32 v24, v39;
	[tilespmem:v53+s15+$0x0] =	vst.idx.msk $0xffff, v52;
	v45 =	vld [tilespmem:s25+$0xFFFFFF60]  }
0x13a: {  	[tilespmem:v48+s15+$0x0] =	vst.idx.msk $0xffff, v40;
	v40 =	vld [tilespmem:s25+$0xFFFFFFA0];
	v48 =	vadd.s32 v28, v38  }
0x13b: {  	v53 =	vadd.s32 v4, v35;
	v52 =	vld [tilespmem:s25+$0xFFFFFE20];
	[tilespmem:v51+s15+$0x0] =	vst.idx.msk $0xffff, v50  }
0x13c: {  	v51 =	vadd.s32 v9, v47;
	v50 =	vld [tilespmem:s25+$0xFFFFFE70];
	[tilespmem:v42+s15+$0x0] =	vst.idx.msk $0xffff, v41  }
0x13d: {  	[tilespmem:v49+s15+$0x0] =	vst.idx.msk $0xffff, v44;
	v41 =	vld [tilespmem:s25+$0x0];
	v49 =	vadd.s32 v34, v43  }
0x13e: {  	v58 =	vadd.s32 v13, v57;
	v54 =	vld [tilespmem:s25+$0xFFFFFEB0];
	[tilespmem:v46+s15+$0x0] =	vst.idx.msk $0xffff, v45  }
0x13f: {  	v60 =	vadd.s32 v17, v37;
	v59 =	vld [tilespmem:s25+$0xFFFFFEF0];
	[tilespmem:v48+s15+$0x0] =	vst.idx.msk $0xffff, v40  }
0x140: {  	v62 =	vadd.s32 v21, v36;
	[tilespmem:v53+s15+$0x0] =	vst.idx.msk $0xffff, v52;
	v61 =	vld [tilespmem:s25+$0xFFFFFF30]  }
.Ltmp8:
0x141: {  	s28 =	sadd.s32 $0x1, s26;
	v43 =	vadd.s32 v25, v39;
	v40 =	vmov s26;
	[tilespmem:v51+s15+$0x0] =	vst.idx.msk $0xffff, v50;
	v42 =	vld [tilespmem:s25+$0xFFFFFF70];
	(pc) =	sbr.rel @p0 .LBB2_15-.Ltmp8, $4  }
0x142: {  	s29 =	sadd.s32 $0x3, s26;
	v55 =	vmov s28;
	s28 =	sadd.s32 $0x2, s26;
	v45 =	vadd.s32 v29, v38;
	v52 =	vshrl.u32 v40, $0x3;
	v44 =	vld [tilespmem:s25+$0xFFFFFFB0];
	[tilespmem:v49+s15+$0x0] =	vst.idx.msk $0xffff, v41  }
0x143: {  	v56 =	vmov s28;
	s28 =	sadd.s32 $0x4, s26;
	v46 =	vmov s29;
	s29 =	sadd.s32 $0x5, s26;
	v50 =	vadd.s32 v5, v35;
	v48 =	vld [tilespmem:s25+$0xFFFFFE30];
	[tilespmem:v58+s15+$0x0] =	vst.idx.msk $0xffff, v54  }
0x144: {  	v40 =	vmov s29;
	v53 =	vadd.s32 v10, v47;
	v49 =	vmov s28;
	s28 =	sadd.s32 $0x6, s26;
	v51 =	vld [tilespmem:s25+$0xFFFFFE80];
	[tilespmem:v60+s15+$0x0] =	vst.idx.msk $0xffff, v59  }
0x145: {  	v47 =	vshll.u32 v52, v3;
	v41 =	vmov s28;
	s28 =	sadd.s32 $0x7, s26;
	s26 =	sadd.s32 $0x8, s26;
	v54 =	vadd.s32 v14, v57;
	v52 =	vld [tilespmem:s25+$0xFFFFFEC0];
	[tilespmem:v62+s15+$0x0] =	vst.idx.msk $0xffff, v61  }
0x146: {  	_ =	sdelay $0x2  }
0x147: {  	v55 =	vshrl.u32 v55, $0x3  }
0x148: {  	v57 =	vmov s28;
	v58 =	vld [tilespmem:s25+$0xFFFFFF00];
	v37 =	vadd.s32 v18, v37;
	[tilespmem:v43+s15+$0x0] =	vst.idx.msk $0xffff, v42;
	v42 =	vshrl.u32 v56, $0x3  }
0x149: {  	v63 =	vld [tilespmem:s25+$0xFFFFFF40];
	v36 =	vadd.s32 v22, v36;
	v39 =	vadd.s32 v26, v39;
	v62 =	vshrl.u32 v57, $0x3;
	[tilespmem:v45+s15+$0x0] =	vst.idx.msk $0xffff, v44  }
0x14a: {  	v60 =	vshrl.u32 v49, $0x3;
	v38 =	vadd.s32 v30, v38;
	v59 =	vld [tilespmem:s25+$0xFFFFFF80];
	v43 =	vshll.u32 v62, v3;
	[tilespmem:v50+s15+$0x0] =	vst.idx.msk $0xffff, v48  }
0x14b: {  	v47 =	vbroadcast v47, $0x0;
	v61 =	vld [tilespmem:s25+$0xFFFFFFC0];
	v62 =	vshll.u32 v55, v3;
	v43 =	vbroadcast v43, $0x0;
	[tilespmem:v53+s15+$0x0] =	vst.idx.msk $0xffff, v51  }
0x14c: {  	v35 =	vadd.s32 v6, v35;
	s30 =	sadd.s32 $0x200, s25;
	v40 =	vshrl.u32 v40, $0x3;
	v50 =	vld [tilespmem:s25+$0xFFFFFE40];
	v49 =	vbroadcast v62, $0x0;
	[tilespmem:v54+s15+$0x0] =	vst.idx.msk $0xffff, v52  }
0x14d: {  	v57 =	vshrl.u32 v46, $0x3;
	v42 =	vshll.u32 v42, v3;
	v51 =	vld [tilespmem:s30+$0xFFFFFFD0];
	v52 =	vadd.s32 v31, v43;
	[tilespmem:v37+s15+$0x0] =	vst.idx.msk $0xffff, v58  }
0x14e: {  	v42 =	vbroadcast v42, $0x0;
	v44 =	vshll.u32 v57, v3;
	[tilespmem:v36+s15+$0x0] =	vst.idx.msk $0xffff, v63;
	v36 =	vld [tilespmem:s30+$0xFFFFFE50];
	v63 =	vadd.s32 v7, v49  }
0x14f: {  	v46 =	vshll.u32 v60, v3;
	v53 =	vadd.s32 v0, v47;
	v44 =	vbroadcast v44, $0x0;
	v37 =	vld [tilespmem:s30+$0xFFFFFE10];
	[tilespmem:v39+s15+$0x0] =	vst.idx.msk $0xffff, v59  }
0x150: {  	v40 =	vshll.u32 v40, v3;
	v57 =	vld [tilespmem:s30+$0xFFFFFE90];
	v46 =	vbroadcast v46, $0x0;
	v58 =	vadd.s32 v11, v42;
	[tilespmem:v38+s15+$0x0] =	vst.idx.msk $0xffff, v61  }
0x151: {  	v40 =	vbroadcast v40, $0x0;
	v60 =	vadd.s32 v15, v44;
	v59 =	vld [tilespmem:s30+$0xFFFFFED0];
	[tilespmem:v35+s15+$0x0] =	vst.idx.msk $0xffff, v50  }
0x152: {  	v41 =	vshrl.u32 v41, $0x3;
	v62 =	vadd.s32 v19, v46;
	v61 =	vld [tilespmem:s30+$0xFFFFFF10];
	[tilespmem:v52+s15+$0x0] =	vst.idx.msk $0xffff, v51  }
0x153: {  	v41 =	vshll.u32 v41, v3;
	[tilespmem:v63+s15+$0x0] =	vst.idx.msk $0xffff, v36;
	v36 =	vld [tilespmem:s30+$0xFFFFFF50];
	v63 =	vadd.s32 v23, v40  }
0x154: {  	[tilespmem:v53+s15+$0x0] =	vst.idx.msk $0xffff, v37;
	v37 =	vbroadcast v41, $0x0;
	v51 =	vadd.s32 v32, v43;
	v41 =	vld [tilespmem:s30+$0xFFFFFFE0]  }
0x155: {  	[tilespmem:v58+s15+$0x0] =	vst.idx.msk $0xffff, v57;
	v58 =	vadd.s32 v8, v49;
	v57 =	vld [tilespmem:s30+$0xFFFFFE60]  }
0x156: {  	v39 =	vld [tilespmem:s30+$0xFFFFFF90];
	[tilespmem:v60+s15+$0x0] =	vst.idx.msk $0xffff, v59;
	v45 =	vadd.s32 v27, v37  }
0x157: {  	v59 =	vld [tilespmem:s30+$0xFFFFFEA0];
	v60 =	vadd.s32 v12, v42;
	[tilespmem:v62+s15+$0x0] =	vst.idx.msk $0xffff, v61  }
0x158: {  	v61 =	vld [tilespmem:s30+$0xFFFFFEE0];
	v62 =	vadd.s32 v16, v44;
	[tilespmem:v63+s15+$0x0] =	vst.idx.msk $0xffff, v36  }
0x159: {  	v63 =	vadd.s32 v20, v46;
	[tilespmem:v51+s15+$0x0] =	vst.idx.msk $0xffff, v41;
	v51 =	vld [tilespmem:s30+$0xFFFFFF20]  }
0x15a: {  	v41 =	vadd.s32 v33, v43;
	[tilespmem:v58+s15+$0x0] =	vst.idx.msk $0xffff, v57;
	v36 =	vld [tilespmem:s30+$0xFFFFFFF0]  }
0x15b: {  	[tilespmem:v45+s15+$0x0] =	vst.idx.msk $0xffff, v39;
	v39 =	vld [tilespmem:s30+$0xFFFFFF60];
	v45 =	vadd.s32 v24, v40  }
0x15c: {  	[tilespmem:v60+s15+$0x0] =	vst.idx.msk $0xffff, v59;
	v59 =	vld [tilespmem:s30+$0xFFFFFE20];
	v60 =	vadd.s32 v4, v47  }
0x15d: {  	v58 =	vadd.s32 v28, v37;
	[tilespmem:v62+s15+$0x0] =	vst.idx.msk $0xffff, v61;
	v57 =	vld [tilespmem:s30+$0xFFFFFFA0]  }
0x15e: {  	v61 =	vld [tilespmem:s30+$0xFFFFFE70];
	v62 =	vadd.s32 v9, v49;
	[tilespmem:v63+s15+$0x0] =	vst.idx.msk $0xffff, v51  }
0x15f: {  	v63 =	vadd.s32 v34, v43;
	v43 =	vld [tilespmem:s30+$0xFFFFFEB0];
	v51 =	vadd.s32 v13, v42;
	[tilespmem:v41+s15+$0x0] =	vst.idx.msk $0xffff, v36  }
0x160: {  	v56 =	vadd.s32 v17, v44;
	[tilespmem:v45+s15+$0x0] =	vst.idx.msk $0xffff, v39;
	v39 =	vld [tilespmem:s30+$0xFFFFFEF0]  }
0x161: {  	[tilespmem:v60+s15+$0x0] =	vst.idx.msk $0xffff, v59;
	v36 =	vld [tilespmem:s30+$0x0]  }
0x162: {  	[tilespmem:v58+s15+$0x0] =	vst.idx.msk $0xffff, v57;
	v57 =	vld [tilespmem:s30+$0xFFFFFF30];
	v58 =	vadd.s32 v21, v46  }
0x163: {  	v60 =	vadd.s32 v25, v40;
	[tilespmem:v62+s15+$0x0] =	vst.idx.msk $0xffff, v61;
	v59 =	vld [tilespmem:s30+$0xFFFFFF70]  }
0x164: {  	v49 =	vadd.s32 v10, v49;
	v55 =	vld [tilespmem:s30+$0xFFFFFE80];
	[tilespmem:v51+s15+$0x0] =	vst.idx.msk $0xffff, v43  }
0x165: {  	v62 =	vadd.s32 v29, v37;
	v61 =	vld [tilespmem:s30+$0xFFFFFFB0];
	[tilespmem:v56+s15+$0x0] =	vst.idx.msk $0xffff, v39  }
0x166: {  	v54 =	vadd.s32 v5, v47;
	[tilespmem:v63+s15+$0x0] =	vst.idx.msk $0xffff, v36;
	v63 =	vld [tilespmem:s30+$0xFFFFFE30]  }
0x167: {  	v42 =	vadd.s32 v14, v42;
	v56 =	vld [tilespmem:s30+$0xFFFFFEC0];
	[tilespmem:v58+s15+$0x0] =	vst.idx.msk $0xffff, v57  }
0x168: {  	v44 =	vadd.s32 v18, v44;
	v57 =	vld [tilespmem:s30+$0xFFFFFF00];
	[tilespmem:v60+s15+$0x0] =	vst.idx.msk $0xffff, v59  }
0x169: {  	v59 =	vadd.s32 v22, v46;
	[tilespmem:v49+s15+$0x0] =	vst.idx.msk $0xffff, v55;
	v58 =	vld [tilespmem:s30+$0xFFFFFF40]  }
0x16a: {  	v40 =	vadd.s32 v26, v40;
	[tilespmem:v62+s15+$0x0] =	vst.idx.msk $0xffff, v61;
	v60 =	vld [tilespmem:s30+$0xFFFFFF80]  }
0x16b: {  	v37 =	vadd.s32 v30, v37;
	v61 =	vld [tilespmem:s30+$0xFFFFFFC0];
	[tilespmem:v54+s15+$0x0] =	vst.idx.msk $0xffff, v63  }
0x16c: {  	s24 =	sadd.s32 s6, s24;
	[tilespmem:v42+s15+$0x0] =	vst.idx.msk $0xffff, v56;
	v63 =	vadd.s32 v6, v47;
	v62 =	vld [tilespmem:s30+$0xFFFFFE40]  }
0x16d: {  	s31 =	sshll.u32 s24, $0x4;
	[tilespmem:v44+s15+$0x0] =	vst.idx.msk $0xffff, v57  }
0x16e: {  	s24 =	sshll.u32 s24, $0xA;
	s25 =	sand.u32 $0x1F0, s31;
	[tilespmem:v59+s15+$0x0] =	vst.idx.msk $0xffff, v58  }
0x16f: {  	s24 =	sand.u32 $0xFFF8000, s24;
	s25 =	sadd.s32 s4, s25;
	[tilespmem:v40+s15+$0x0] =	vst.idx.msk $0xffff, v60  }
0x170: {  	s26 =	simm.s32 $0x200;
	s24 =	sadd.s32 s24, s25;
	[tilespmem:v37+s15+$0x0] =	vst.idx.msk $0xffff, v61  }
0x171: {  	s28 =	simm.s32 $0x7B98;
	s25 =	simm.s32 $0x7B10;
	s29 =	sadd.s32 $0x0, s24;
	[tilespmem:v63+s15+$0x0] =	vst.idx.msk $0xffff, v62  }
.LBB2_17:
0x172: {  	[hbm4b:s29+s2] =	stream.linear.scatter [tilespmem:s25], [sflag:$0x4], $0x80, $0x38;
	[tilespmem:$0x9D20] =	vst v63  }
0x173: {  	s29 =	smov.u32 s26;
	s25 =	smov.u32 s28;
	p0 =	sne.s32 s26, $0x7E00  }
.Ltmp9:
0x174: {  	s26 =	sadd.s32 $0x200, s26;
	(pc) =	sbr.rel @p0 .LBB2_17-.Ltmp9, $2  }
0x175: {  	_ =	sdelay $0x2  }
0x176: {  	s28 =	sadd.s32 $0x88, s28;
	s29 =	sadd.s32 s29, s24  }
.Ltmp10:
0x177: {  	(pc) =	sbr.rel @p1 .LBB2_20-.Ltmp10, $2  }
0x178: {  	_ =	sdelay $0x2  }
0x179: {  	[hbm4b:s29+s2] =	stream.linear.scatter [tilespmem:s25], [sflag:$0x4], $0x80, $0x38;
	[tilespmem:$0x9D20] =	vst v63  }
.Ltmp11:
0x17a: {  	(pc) =	sbr.rel .LBB2_2-.Ltmp11, $4  }
0x17b: {  	_ = 	snop  }
0x17c: {  	s23 =	sadd.s32 $0x180, s23  }
0x17d: {  	s22 =	sadd.s32 $0x1, s22;
	s21 =	sadd.s32 $0x100, s21;
	s20 =	sadd.s32 $0x100, s20  }
0x17e: {  	[tilespmem:s10], [sflag:$0x2] =	stream.indirect.gather [hbm4b:s3+s18], $0x40, s23, s18, $0xb8;
	[tilespmem:$0x9D20] =	vst v63  }
.LBB2_21:
0x17f: {  	_ =	sfence.sel $0x180000  }
0x180: {  	[bflag:$0x0] =	sbarrier.arrive $0xFFFF  }
0x181: {  	p0 =	sne.s32 s0, $0x0;
	_ =	strace $0x90000047  }
0x182: {  	s0 =	sadd.s32 @!p0 $0x100000, s1;
	[bflag:$0x2] =	sbarrier.arrive $0xFFFF  }
0x183: {  	[sflag:s0] =	ssyncadd.tile.s32 @!p0 $0x1;
	_ =	shalt  }
.Lfunc_end2:
_tile_overlayer_lowered:
.L_overlay_start_2:
0x184: {  	(tag) =	ssettag $0x2  }
0x185: {  	s0 =	rddreg [dreg:$0x0];
	s2 =	stileid.u32  }
0x186: {  	s1 =	rddreg [dreg:$0x1];
	p0 =	sne.s32 s2, $0x0  }
0x187: {  	s3 =	rddreg [dreg:$0x2];
	[bflag:$0x3] =	sbarrier.arrive $0xFFFF;
	s2 =	simm.s32 @!p0 $0x1C05  }
0x188: {  	[timem:s3], [sflag:s2] =	dma.local @!p0 [hbm:s0], s1  }
0x189: {  	s0 =	simm.s32 @!p0 $0x5  }
0x18a: {  	_ =	swait.ge @!p0 [sflag:s0], s1  }
0x18b: {  	s1 =	ssub.s32 @!p0 $0x0, s1;
	[sflag:s0] =	ssyncset.done @!p0 $0x0  }
0x18c: {  	[sflag:s0] =	ssyncadd.s32 @!p0 s1  }
0x18d: {  	[bflag:$0x3] =	sbarrier.arrive $0xFFFF  }
0x18e: {  	_ =	shalt  }

</sc_bundles>
